<compile_context>
chip_gen: v7x
topology: tpu7x:2x2x1
jax: 0.10.2.dev20260603
libtpu: 0.0.44.dev20260713+nightly
codegen_flags: <defaults>
</compile_context>

<pallas_src>
import functools

import jax
import jax.numpy as jnp
from jax import lax
from jax.experimental import pallas as pl
from jax.experimental.pallas import tpu as pltpu
from jax.experimental.pallas import tpu_sc as plsc

N, E, D = 10000, 320000, 128
H = D // 2
NP = 10240
NC, NS, L = 2, 16, 16
CHUNK = 128
NCHT = E // CHUNK
CBASE = NCHT // NS
XTILES = NCHT - CBASE * NS
NPH = 2
CPH = CBASE // NPH
RPT = NP // NS
RPT_LAST = N - (NS - 1) * RPT
ZROWS = 128


def _sc_scatter_add(xbf, e3):
    mesh = plsc.VectorSubcoreMesh(
        core_axis_name="c", subcore_axis_name="s", num_cores=NC, num_subcores=NS
    )

    @functools.partial(
        pl.kernel,
        out_type=jax.ShapeDtypeStruct((2, NP, D), jnp.bfloat16),
        mesh=mesh,
        scratch_types=[
            pltpu.VMEM((CPH, CHUNK), jnp.int32),
            pltpu.VMEM((CPH, CHUNK), jnp.int32),
            pltpu.VMEM((CHUNK, H), jnp.bfloat16),
            pltpu.VMEM((CHUNK, H), jnp.bfloat16),
            pltpu.VMEM_SHARED((NP, H), jnp.bfloat16),
            pltpu.VMEM_SHARED((NP, H), jnp.bfloat16),
            pltpu.VMEM_SHARED((NP, H), jnp.bfloat16),
            pltpu.SemaphoreType.DMA,
            pltpu.SemaphoreType.DMA,
            pltpu.SemaphoreType.DMA,
            pltpu.SemaphoreType.DMA,
            pltpu.SemaphoreType.DMA,
        ],
        compiler_params=pltpu.CompilerParams(use_tc_tiling_on_sc=False),
    )
    def k(xbf_hbm, e_hbm, agg_hbm,
          sb, db, rows0, rows1, xspm, agg0, agg1,
          isem, gsem0, gsem1, ssem0, ssem1):
        cid = lax.axis_index("c")
        sid = lax.axis_index("s")
        r0 = sid * RPT
        c0 = cid * H
        base = sid * CBASE + jnp.minimum(sid, XTILES)

        pltpu.async_copy(e_hbm.at[0, pl.ds(base, CPH)], sb, isem)
        pltpu.async_copy(e_hbm.at[1, pl.ds(base, CPH)], db, isem)

        @pl.when(sid < NS - 1)
        def _():
            pltpu.async_copy(xbf_hbm.at[pl.ds(r0, RPT), pl.ds(c0, H)],
                             xspm.at[pl.ds(r0, RPT)], gsem0)

        @pl.when(sid == NS - 1)
        def _():
            pltpu.async_copy(xbf_hbm.at[pl.ds(r0, RPT_LAST), pl.ds(c0, H)],
                             xspm.at[pl.ds(r0, RPT_LAST)], gsem0)

        def zrow(i, _):
            def zcol(c, _):
                rows0[i, pl.ds(c * 2 * L, 2 * L)] = jnp.zeros((2 * L,), jnp.bfloat16)
                return 0
            return lax.fori_loop(0, H // (2 * L), zcol, 0)
        lax.fori_loop(0, ZROWS, zrow, 0)

        for agg in (agg0, agg1):
            for j in range(RPT // ZROWS):
                pltpu.async_copy(rows0, agg.at[pl.ds(r0 + j * ZROWS, ZROWS)], ssem0)
        for agg in (agg0, agg1):
            for j in range(RPT // ZROWS):
                pltpu.make_async_copy(rows0, agg.at[pl.ds(r0 + j * ZROWS, ZROWS)],
                                      ssem0).wait()

        @pl.when(sid < NS - 1)
        def _():
            pltpu.make_async_copy(xbf_hbm.at[pl.ds(r0, RPT), pl.ds(c0, H)],
                                  xspm.at[pl.ds(r0, RPT)], gsem0).wait()

        @pl.when(sid == NS - 1)
        def _():
            pltpu.make_async_copy(xbf_hbm.at[pl.ds(r0, RPT_LAST), pl.ds(c0, H)],
                                  xspm.at[pl.ds(r0, RPT_LAST)], gsem0).wait()
        plsc.subcore_barrier()

        def g_wait(rows, gsem):
            pltpu.make_async_copy(xspm.at[sb.at[0]], rows, gsem).wait()

        def s_wait(rows, ssem, agg):
            pltpu.make_async_copy(rows, agg.at[db.at[0]], ssem).wait()

        for ph in range(NPH):
            agg = agg0 if ph == 0 else agg1
            poff = base + ph * CPH
            pltpu.make_async_copy(e_hbm.at[0, pl.ds(poff, CPH)], sb, isem).wait()
            pltpu.make_async_copy(e_hbm.at[1, pl.ds(poff, CPH)], db, isem).wait()

            pltpu.async_copy(xspm.at[sb.at[0]], rows0, gsem0)

            def body(g, _):
                i0 = 2 * g
                g_wait(rows0, gsem0)

                @pl.when(g > 0)
                def _():
                    s_wait(rows1, ssem1, agg)

                pltpu.async_copy(xspm.at[sb.at[i0 + 1]], rows1, gsem1)
                pltpu.async_copy(rows0, agg.at[db.at[i0]], ssem0, add=True)

                g_wait(rows1, gsem1)
                s_wait(rows0, ssem0, agg)

                @pl.when(g < CPH // 2 - 1)
                def _():
                    pltpu.async_copy(xspm.at[sb.at[i0 + 2]], rows0, gsem0)

                pltpu.async_copy(rows1, agg.at[db.at[i0 + 1]], ssem1, add=True)
                return 0

            lax.fori_loop(0, CPH // 2, body, 0)
            s_wait(rows1, ssem1, agg)
            if ph + 1 < NPH:
                noff = base + (ph + 1) * CPH
                pltpu.async_copy(e_hbm.at[0, pl.ds(noff, CPH)], sb, isem)
                pltpu.async_copy(e_hbm.at[1, pl.ds(noff, CPH)], db, isem)

        @pl.when(sid < XTILES)
        def _():
            xoff = base + CBASE
            pltpu.sync_copy(e_hbm.at[0, pl.ds(xoff, 1)], sb.at[pl.ds(0, 1)])
            pltpu.sync_copy(e_hbm.at[1, pl.ds(xoff, 1)], db.at[pl.ds(0, 1)])
            pltpu.async_copy(xspm.at[sb.at[0]], rows0, gsem0)
            g_wait(rows0, gsem0)
            pltpu.async_copy(rows0, agg1.at[db.at[0]], ssem0, add=True)
            s_wait(rows0, ssem0, agg1)

        plsc.subcore_barrier()

        pltpu.async_copy(agg0.at[pl.ds(r0, RPT)],
                         agg_hbm.at[0, pl.ds(r0, RPT), pl.ds(c0, H)], gsem0)
        pltpu.async_copy(agg1.at[pl.ds(r0, RPT)],
                         agg_hbm.at[1, pl.ds(r0, RPT), pl.ds(c0, H)], gsem1)
        pltpu.make_async_copy(agg0.at[pl.ds(r0, RPT)],
                              agg_hbm.at[0, pl.ds(r0, RPT), pl.ds(c0, H)],
                              gsem0).wait()
        pltpu.make_async_copy(agg1.at[pl.ds(r0, RPT)],
                              agg_hbm.at[1, pl.ds(r0, RPT), pl.ds(c0, H)],
                              gsem1).wait()

    return k(xbf, e3)


_BLK = 1000


def _mlp_body(a0_ref, a1_ref, x_ref, w1_ref, b1_ref, w2_ref, b2_ref, o_ref):
    s = (a0_ref[0].astype(jnp.float32) + a1_ref[0].astype(jnp.float32)
         + x_ref[...])
    h = jnp.maximum(
        jnp.dot(s, w1_ref[...], preferred_element_type=jnp.float32) + b1_ref[...], 0.0
    )
    o_ref[...] = jnp.dot(h, w2_ref[...], preferred_element_type=jnp.float32) + b2_ref[...]


def _mlp(agg, x, W1, b1, W2, b2):
    return pl.pallas_call(
        _mlp_body,
        grid=(N // _BLK,),
        in_specs=[
            pl.BlockSpec((1, _BLK, D), lambda i: (0, i, 0)),
            pl.BlockSpec((1, _BLK, D), lambda i: (1, i, 0)),
            pl.BlockSpec((_BLK, D), lambda i: (i, 0)),
            pl.BlockSpec((D, D), lambda i: (0, 0)),
            pl.BlockSpec((1, D), lambda i: (0, 0)),
            pl.BlockSpec((D, D), lambda i: (0, 0)),
            pl.BlockSpec((1, D), lambda i: (0, 0)),
        ],
        out_specs=pl.BlockSpec((_BLK, D), lambda i: (i, 0)),
        out_shape=jax.ShapeDtypeStruct((N, D), jnp.float32),
    )(agg, agg, x, W1, b1.reshape(1, D), W2, b2.reshape(1, D))


@jax.jit
def kernel(x, edge_index, W1, b1, W2, b2):
    e3 = edge_index.reshape(2, NCHT, CHUNK)
    agg = _sc_scatter_add(x.astype(jnp.bfloat16), e3)
    return _mlp(agg, x, W1, b1, W2, b2)

# --- scband reference (transcript-rebuilt; emitter-appended) ---
"""Pipeline reference for scband-pure-ginconv-66340064854628 (READ-ONLY COPY).

The authoritative reference and input builder live on the scoring server;
editing this copy changes nothing except your own understanding.
"""

import jax, jax.numpy as jnp
import numpy as np

N, E, D = 10000, 320000, 128

def setup_inputs(seed: int = 0) -> dict:
    key = jax.random.key(seed)
    k1, k2, k3, k4 = jax.random.split(key, 4)
    x = jax.random.normal(k1, (N, D), dtype=jnp.float32)
    edge_index = jax.random.randint(k2, (2, E), 0, N, dtype=jnp.int32)
    W1 = jax.random.normal(k3, (D, D), dtype=jnp.float32) * (1.0 / np.sqrt(D))
    b1 = jnp.zeros((D,), dtype=jnp.float32)
    W2 = jax.random.normal(k4, (D, D), dtype=jnp.float32) * (1.0 / np.sqrt(D))
    b2 = jnp.zeros((D,), dtype=jnp.float32)
    return {"x": x, "edge_index": edge_index, "W1": W1, "b1": b1, "W2": W2, "b2": b2}

def reference(x, edge_index, W1, b1, W2, b2):
    src = edge_index[0]
    dst = edge_index[1]
    # scatter-add of gathered source features onto destination nodes
    agg = jnp.zeros_like(x).at[dst].add(x[src])
    # eps = 0.0 (learn_eps=False): out = agg + (1 + 0) * x
    out = agg + x
    # mlp: Linear(128,128) -> ReLU -> Linear(128,128)
    h = jax.nn.relu(out @ W1 + b1)
    return h @ W2 + b2

if __name__ == "__main__":
    import jax
    _d = setup_inputs()
    print(jax.jit(kernel)(*tuple(_d.values())))

</pallas_src>

<mosaic_0001>
#map = affine_map<(d0, d1) -> (0, 0)>
#map1 = affine_map<(d0, d1) -> (0, 0, 0)>
module attributes {stable_mosaic.version = 14 : i64} {
  func.func @k(%arg0: i32, %arg1: i32, %arg2: memref<10000x128xbf16, #tpu.memory_space<hbm>>, %arg3: memref<2x2500x128xi32, #tpu.memory_space<hbm>>, %arg4: memref<2x10240x128xbf16, #tpu.memory_space<hbm>>, %arg5: memref<78x128xi32, #tpu.memory_space<vmem>>, %arg6: memref<78x128xi32, #tpu.memory_space<vmem>>, %arg7: memref<128x64xbf16, #tpu.memory_space<vmem>>, %arg8: memref<128x64xbf16, #tpu.memory_space<vmem>>, %arg9: memref<10240x64xbf16, #tpu.memory_space<vmem_shared>>, %arg10: memref<10240x64xbf16, #tpu.memory_space<vmem_shared>>, %arg11: memref<10240x64xbf16, #tpu.memory_space<vmem_shared>>, %arg12: memref<!tpu.dma_semaphore, #tpu.memory_space<semaphore_mem>>, %arg13: memref<!tpu.dma_semaphore, #tpu.memory_space<semaphore_mem>>, %arg14: memref<!tpu.dma_semaphore, #tpu.memory_space<semaphore_mem>>, %arg15: memref<!tpu.dma_semaphore, #tpu.memory_space<semaphore_mem>>, %arg16: memref<!tpu.dma_semaphore, #tpu.memory_space<semaphore_mem>>) attributes {dimension_semantics = [#tpu.dimension_semantics<core_parallel>, #tpu.dimension_semantics<subcore_parallel>], iteration_bounds = array<i64: 2, 16>, scalar_prefetch = 0 : i64, scratch_operands = 12 : i64, tpu.core_type = #tpu.core_type<sc_vector_subcore>, window_params = [{transform_indices = #map}, {transform_indices = #map1}, {transform_indices = #map1}]} {
    %mul3A = arith.constant 640 : i32
    %mul3A_0 = arith.muli %arg1, %mul3A : i32
    %mul3A_1 = arith.constant 64 : i32
    %mul3A_2 = arith.muli %arg0, %mul3A_1 : i32
    %mul3A_3 = arith.constant 156 : i32
    %mul3A_4 = arith.muli %arg1, %mul3A_3 : i32
    %min3A = arith.constant 4 : i32
    %min3A_5 = arith.minsi %arg1, %min3A : i32
    %add3A = arith.addi %mul3A_4, %min3A_5 : i32
    %dma_start3A = arith.constant 0 : i32
    %dma_start3A_6 = arith.constant 0 : i32
    %dma_start3A_7 = tpu.memref_slice %arg3[%dma_start3A, %add3A, %dma_start3A_6] : memref<2x2500x128xi32, #tpu.memory_space<hbm>> -> memref<1x78x128xi32, #tpu.memory_space<hbm>>
    %dma_start3A_8 = tpu.memref_squeeze %dma_start3A_7 : memref<1x78x128xi32, #tpu.memory_space<hbm>> -> memref<78x128xi32, #tpu.memory_space<hbm>>
    %dma_start3A_9 = arith.constant 0 : i32
    %dma_start3A_10 = tpu.memref_slice %arg3[%dma_start3A, %add3A, %dma_start3A_9] : memref<2x2500x128xi32, #tpu.memory_space<hbm>> -> memref<1x78x128xi32, #tpu.memory_space<hbm>>
    %dma_start3A_11 = tpu.memref_squeeze %dma_start3A_10 : memref<1x78x128xi32, #tpu.memory_space<hbm>> -> memref<78x128xi32, #tpu.memory_space<hbm>>
    tpu.enqueue_dma source(%dma_start3A_11 : memref<78x128xi32, #tpu.memory_space<hbm>>) target(%arg5 : memref<78x128xi32, #tpu.memory_space<vmem>>) target_semaphore(%arg12 : memref<!tpu.dma_semaphore, #tpu.memory_space<semaphore_mem>>)
    %dma_start3A_12 = arith.constant 1 : i32
    %dma_start3A_13 = arith.constant 0 : i32
    %dma_start3A_14 = tpu.memref_slice %arg3[%dma_start3A_12, %add3A, %dma_start3A_13] : memref<2x2500x128xi32, #tpu.memory_space<hbm>> -> memref<1x78x128xi32, #tpu.memory_space<hbm>>
    %dma_start3A_15 = tpu.memref_squeeze %dma_start3A_14 : memref<1x78x128xi32, #tpu.memory_space<hbm>> -> memref<78x128xi32, #tpu.memory_space<hbm>>
    %dma_start3A_16 = arith.constant 0 : i32
    %dma_start3A_17 = tpu.memref_slice %arg3[%dma_start3A_12, %add3A, %dma_start3A_16] : memref<2x2500x128xi32, #tpu.memory_space<hbm>> -> memref<1x78x128xi32, #tpu.memory_space<hbm>>
    %dma_start3A_18 = tpu.memref_squeeze %dma_start3A_17 : memref<1x78x128xi32, #tpu.memory_space<hbm>> -> memref<78x128xi32, #tpu.memory_space<hbm>>
    tpu.enqueue_dma source(%dma_start3A_18 : memref<78x128xi32, #tpu.memory_space<hbm>>) target(%arg6 : memref<78x128xi32, #tpu.memory_space<vmem>>) target_semaphore(%arg12 : memref<!tpu.dma_semaphore, #tpu.memory_space<semaphore_mem>>)
    %lt3A = arith.constant 15 : i32
    %lt3A_19 = arith.cmpi slt, %arg1, %lt3A : i32
    %convert_element_type3A = arith.extui %lt3A_19 : i1 to i32
    %cond3A = arith.constant 0 : i32
    %cond3A_20 = arith.cmpi ne, %convert_element_type3A, %cond3A : i32
    scf.if %cond3A_20 {
      %dma_start3A_276 = arith.constant 0 : i32
      %dma_start3A_277 = tpu.memref_slice %arg9[%mul3A_0, %dma_start3A_276] : memref<10240x64xbf16, #tpu.memory_space<vmem_shared>> -> memref<640x64xbf16, #tpu.memory_space<vmem_shared>>
      %dma_start3A_278 = tpu.memref_slice %arg2[%mul3A_0, %mul3A_2] : memref<10000x128xbf16, #tpu.memory_space<hbm>> -> memref<640x64xbf16, #tpu.memory_space<hbm>>
      tpu.enqueue_dma source(%dma_start3A_278 : memref<640x64xbf16, #tpu.memory_space<hbm>>) target(%dma_start3A_277 : memref<640x64xbf16, #tpu.memory_space<vmem_shared>>) target_semaphore(%arg13 : memref<!tpu.dma_semaphore, #tpu.memory_space<semaphore_mem>>)
    } else {
    }
    %eq3A = arith.constant 15 : i32
    %eq3A_21 = arith.cmpi eq, %arg1, %eq3A : i32
    %convert_element_type3A_22 = arith.extui %eq3A_21 : i1 to i32
    %cond3A_23 = arith.constant 0 : i32
    %cond3A_24 = arith.cmpi ne, %convert_element_type3A_22, %cond3A_23 : i32
    scf.if %cond3A_24 {
      %dma_start3A_276 = arith.constant 0 : i32
      %dma_start3A_277 = tpu.memref_slice %arg9[%mul3A_0, %dma_start3A_276] : memref<10240x64xbf16, #tpu.memory_space<vmem_shared>> -> memref<400x64xbf16, #tpu.memory_space<vmem_shared>>
      %dma_start3A_278 = tpu.memref_slice %arg2[%mul3A_0, %mul3A_2] : memref<10000x128xbf16, #tpu.memory_space<hbm>> -> memref<400x64xbf16, #tpu.memory_space<hbm>>
      tpu.enqueue_dma source(%dma_start3A_278 : memref<400x64xbf16, #tpu.memory_space<hbm>>) target(%dma_start3A_277 : memref<400x64xbf16, #tpu.memory_space<vmem_shared>>) target_semaphore(%arg13 : memref<!tpu.dma_semaphore, #tpu.memory_space<semaphore_mem>>)
    } else {
    }
    %scan3A = arith.constant 0 : i32
    %scan3A_25 = arith.constant 0 : i32
    %scan3A_26 = arith.constant 128 : i32
    %scan3A_27 = arith.addi %scan3A_25, %scan3A_26 : i32
    %scan3A_28 = arith.constant 1 : i32
    %scan3A_29 = scf.for %scan3A_276 = %scan3A_25 to %scan3A_27 step %scan3A_28 iter_args(%scan3A_277 = %scan3A) -> (i32)  : i32 {
      %scan3A_278 = arith.constant 0 : i32
      %scan3A_279 = arith.constant 0 : i32
      %scan3A_280 = arith.constant 2 : i32
      %scan3A_281 = arith.addi %scan3A_279, %scan3A_280 : i32
      %scan3A_282 = arith.constant 1 : i32
      %scan3A_283 = scf.for %scan3A_285 = %scan3A_279 to %scan3A_281 step %scan3A_282 iter_args(%scan3A_286 = %scan3A_278) -> (i32)  : i32 {
        %broadcast_in_dim3A = arith.constant 0.000000e+00 : bf16
        %broadcast_in_dim3A_287 = vector.broadcast %broadcast_in_dim3A : bf16 to vector<32xbf16>
        %mul3A_288 = arith.constant 2 : i32
        %mul3A_289 = arith.muli %scan3A_285, %mul3A_288 : i32
        %mul3A_290 = arith.constant 16 : i32
        %mul3A_291 = arith.muli %mul3A_289, %mul3A_290 : i32
        %swap3A = arith.index_cast %scan3A_276 : i32 to index
        %swap3A_292 = arith.index_cast %mul3A_291 : i32 to index
        %swap3A_293 = tpu.vector_load %arg7[%swap3A, %swap3A_292] {strides = array<i32>} : memref<128x64xbf16, #tpu.memory_space<vmem>>, vector<1x32xbf16>,
        %swap3A_294 = vector.shape_cast %swap3A_293 : vector<1x32xbf16> to vector<32xbf16>
        %swap3A_295 = vector.shape_cast %broadcast_in_dim3A_287 : vector<32xbf16> to vector<1x32xbf16>
        tpu.vector_store %arg7[%swap3A, %swap3A_292], %swap3A_295 {strides = array<i32>} : memref<128x64xbf16, #tpu.memory_space<vmem>>, vector<1x32xbf16>,
        %scan3A_296 = arith.constant 0 : i32
        scf.yield %scan3A_296 : i32
      }
      %scan3A_284 = arith.constant 2 : i32
      scf.yield %scan3A_283 : i32
    }
    %scan3A_30 = arith.constant 128 : i32
    %add3A_31 = arith.constant 0 : i32
    %add3A_32 = arith.addi %mul3A_0, %add3A_31 : i32
    %dma_start3A_33 = arith.constant 0 : i32
    %dma_start3A_34 = tpu.memref_slice %arg10[%add3A_32, %dma_start3A_33] : memref<10240x64xbf16, #tpu.memory_space<vmem_shared>> -> memref<128x64xbf16, #tpu.memory_space<vmem_shared>>
    %dma_start3A_35 = arith.constant 0 : i32
    %dma_start3A_36 = tpu.memref_slice %arg10[%add3A_32, %dma_start3A_35] : memref<10240x64xbf16, #tpu.memory_space<vmem_shared>> -> memref<128x64xbf16, #tpu.memory_space<vmem_shared>>
    tpu.enqueue_dma source(%arg7 : memref<128x64xbf16, #tpu.memory_space<vmem>>) target(%dma_start3A_36 : memref<128x64xbf16, #tpu.memory_space<vmem_shared>>) target_semaphore(%arg15 : memref<!tpu.dma_semaphore, #tpu.memory_space<semaphore_mem>>)
    %add3A_37 = arith.constant 128 : i32
    %add3A_38 = arith.addi %mul3A_0, %add3A_37 : i32
    %dma_start3A_39 = arith.constant 0 : i32
    %dma_start3A_40 = tpu.memref_slice %arg10[%add3A_38, %dma_start3A_39] : memref<10240x64xbf16, #tpu.memory_space<vmem_shared>> -> memref<128x64xbf16, #tpu.memory_space<vmem_shared>>
    %dma_start3A_41 = arith.constant 0 : i32
    %dma_start3A_42 = tpu.memref_slice %arg10[%add3A_38, %dma_start3A_41] : memref<10240x64xbf16, #tpu.memory_space<vmem_shared>> -> memref<128x64xbf16, #tpu.memory_space<vmem_shared>>
    tpu.enqueue_dma source(%arg7 : memref<128x64xbf16, #tpu.memory_space<vmem>>) target(%dma_start3A_42 : memref<128x64xbf16, #tpu.memory_space<vmem_shared>>) target_semaphore(%arg15 : memref<!tpu.dma_semaphore, #tpu.memory_space<semaphore_mem>>)
    %add3A_43 = arith.constant 256 : i32
    %add3A_44 = arith.addi %mul3A_0, %add3A_43 : i32
    %dma_start3A_45 = arith.constant 0 : i32
    %dma_start3A_46 = tpu.memref_slice %arg10[%add3A_44, %dma_start3A_45] : memref<10240x64xbf16, #tpu.memory_space<vmem_shared>> -> memref<128x64xbf16, #tpu.memory_space<vmem_shared>>
    %dma_start3A_47 = arith.constant 0 : i32
    %dma_start3A_48 = tpu.memref_slice %arg10[%add3A_44, %dma_start3A_47] : memref<10240x64xbf16, #tpu.memory_space<vmem_shared>> -> memref<128x64xbf16, #tpu.memory_space<vmem_shared>>
    tpu.enqueue_dma source(%arg7 : memref<128x64xbf16, #tpu.memory_space<vmem>>) target(%dma_start3A_48 : memref<128x64xbf16, #tpu.memory_space<vmem_shared>>) target_semaphore(%arg15 : memref<!tpu.dma_semaphore, #tpu.memory_space<semaphore_mem>>)
    %add3A_49 = arith.constant 384 : i32
    %add3A_50 = arith.addi %mul3A_0, %add3A_49 : i32
    %dma_start3A_51 = arith.constant 0 : i32
    %dma_start3A_52 = tpu.memref_slice %arg10[%add3A_50, %dma_start3A_51] : memref<10240x64xbf16, #tpu.memory_space<vmem_shared>> -> memref<128x64xbf16, #tpu.memory_space<vmem_shared>>
    %dma_start3A_53 = arith.constant 0 : i32
    %dma_start3A_54 = tpu.memref_slice %arg10[%add3A_50, %dma_start3A_53] : memref<10240x64xbf16, #tpu.memory_space<vmem_shared>> -> memref<128x64xbf16, #tpu.memory_space<vmem_shared>>
    tpu.enqueue_dma source(%arg7 : memref<128x64xbf16, #tpu.memory_space<vmem>>) target(%dma_start3A_54 : memref<128x64xbf16, #tpu.memory_space<vmem_shared>>) target_semaphore(%arg15 : memref<!tpu.dma_semaphore, #tpu.memory_space<semaphore_mem>>)
    %add3A_55 = arith.constant 512 : i32
    %add3A_56 = arith.addi %mul3A_0, %add3A_55 : i32
    %dma_start3A_57 = arith.constant 0 : i32
    %dma_start3A_58 = tpu.memref_slice %arg10[%add3A_56, %dma_start3A_57] : memref<10240x64xbf16, #tpu.memory_space<vmem_shared>> -> memref<128x64xbf16, #tpu.memory_space<vmem_shared>>
    %dma_start3A_59 = arith.constant 0 : i32
    %dma_start3A_60 = tpu.memref_slice %arg10[%add3A_56, %dma_start3A_59] : memref<10240x64xbf16, #tpu.memory_space<vmem_shared>> -> memref<128x64xbf16, #tpu.memory_space<vmem_shared>>
    tpu.enqueue_dma source(%arg7 : memref<128x64xbf16, #tpu.memory_space<vmem>>) target(%dma_start3A_60 : memref<128x64xbf16, #tpu.memory_space<vmem_shared>>) target_semaphore(%arg15 : memref<!tpu.dma_semaphore, #tpu.memory_space<semaphore_mem>>)
    %add3A_61 = arith.constant 0 : i32
    %add3A_62 = arith.addi %mul3A_0, %add3A_61 : i32
    %dma_start3A_63 = arith.constant 0 : i32
    %dma_start3A_64 = tpu.memref_slice %arg11[%add3A_62, %dma_start3A_63] : memref<10240x64xbf16, #tpu.memory_space<vmem_shared>> -> memref<128x64xbf16, #tpu.memory_space<vmem_shared>>
    %dma_start3A_65 = arith.constant 0 : i32
    %dma_start3A_66 = tpu.memref_slice %arg11[%add3A_62, %dma_start3A_65] : memref<10240x64xbf16, #tpu.memory_space<vmem_shared>> -> memref<128x64xbf16, #tpu.memory_space<vmem_shared>>
    tpu.enqueue_dma source(%arg7 : memref<128x64xbf16, #tpu.memory_space<vmem>>) target(%dma_start3A_66 : memref<128x64xbf16, #tpu.memory_space<vmem_shared>>) target_semaphore(%arg15 : memref<!tpu.dma_semaphore, #tpu.memory_space<semaphore_mem>>)
    %add3A_67 = arith.constant 128 : i32
    %add3A_68 = arith.addi %mul3A_0, %add3A_67 : i32
    %dma_start3A_69 = arith.constant 0 : i32
    %dma_start3A_70 = tpu.memref_slice %arg11[%add3A_68, %dma_start3A_69] : memref<10240x64xbf16, #tpu.memory_space<vmem_shared>> -> memref<128x64xbf16, #tpu.memory_space<vmem_shared>>
    %dma_start3A_71 = arith.constant 0 : i32
    %dma_start3A_72 = tpu.memref_slice %arg11[%add3A_68, %dma_start3A_71] : memref<10240x64xbf16, #tpu.memory_space<vmem_shared>> -> memref<128x64xbf16, #tpu.memory_space<vmem_shared>>
    tpu.enqueue_dma source(%arg7 : memref<128x64xbf16, #tpu.memory_space<vmem>>) target(%dma_start3A_72 : memref<128x64xbf16, #tpu.memory_space<vmem_shared>>) target_semaphore(%arg15 : memref<!tpu.dma_semaphore, #tpu.memory_space<semaphore_mem>>)
    %add3A_73 = arith.constant 256 : i32
    %add3A_74 = arith.addi %mul3A_0, %add3A_73 : i32
    %dma_start3A_75 = arith.constant 0 : i32
    %dma_start3A_76 = tpu.memref_slice %arg11[%add3A_74, %dma_start3A_75] : memref<10240x64xbf16, #tpu.memory_space<vmem_shared>> -> memref<128x64xbf16, #tpu.memory_space<vmem_shared>>
    %dma_start3A_77 = arith.constant 0 : i32
    %dma_start3A_78 = tpu.memref_slice %arg11[%add3A_74, %dma_start3A_77] : memref<10240x64xbf16, #tpu.memory_space<vmem_shared>> -> memref<128x64xbf16, #tpu.memory_space<vmem_shared>>
    tpu.enqueue_dma source(%arg7 : memref<128x64xbf16, #tpu.memory_space<vmem>>) target(%dma_start3A_78 : memref<128x64xbf16, #tpu.memory_space<vmem_shared>>) target_semaphore(%arg15 : memref<!tpu.dma_semaphore, #tpu.memory_space<semaphore_mem>>)
    %add3A_79 = arith.constant 384 : i32
    %add3A_80 = arith.addi %mul3A_0, %add3A_79 : i32
    %dma_start3A_81 = arith.constant 0 : i32
    %dma_start3A_82 = tpu.memref_slice %arg11[%add3A_80, %dma_start3A_81] : memref<10240x64xbf16, #tpu.memory_space<vmem_shared>> -> memref<128x64xbf16, #tpu.memory_space<vmem_shared>>
    %dma_start3A_83 = arith.constant 0 : i32
    %dma_start3A_84 = tpu.memref_slice %arg11[%add3A_80, %dma_start3A_83] : memref<10240x64xbf16, #tpu.memory_space<vmem_shared>> -> memref<128x64xbf16, #tpu.memory_space<vmem_shared>>
    tpu.enqueue_dma source(%arg7 : memref<128x64xbf16, #tpu.memory_space<vmem>>) target(%dma_start3A_84 : memref<128x64xbf16, #tpu.memory_space<vmem_shared>>) target_semaphore(%arg15 : memref<!tpu.dma_semaphore, #tpu.memory_space<semaphore_mem>>)
    %add3A_85 = arith.constant 512 : i32
    %add3A_86 = arith.addi %mul3A_0, %add3A_85 : i32
    %dma_start3A_87 = arith.constant 0 : i32
    %dma_start3A_88 = tpu.memref_slice %arg11[%add3A_86, %dma_start3A_87] : memref<10240x64xbf16, #tpu.memory_space<vmem_shared>> -> memref<128x64xbf16, #tpu.memory_space<vmem_shared>>
    %dma_start3A_89 = arith.constant 0 : i32
    %dma_start3A_90 = tpu.memref_slice %arg11[%add3A_86, %dma_start3A_89] : memref<10240x64xbf16, #tpu.memory_space<vmem_shared>> -> memref<128x64xbf16, #tpu.memory_space<vmem_shared>>
    tpu.enqueue_dma source(%arg7 : memref<128x64xbf16, #tpu.memory_space<vmem>>) target(%dma_start3A_90 : memref<128x64xbf16, #tpu.memory_space<vmem_shared>>) target_semaphore(%arg15 : memref<!tpu.dma_semaphore, #tpu.memory_space<semaphore_mem>>)
    %add3A_91 = arith.constant 0 : i32
    %add3A_92 = arith.addi %mul3A_0, %add3A_91 : i32
    %dma_wait3A = arith.constant 0 : i32
    %dma_wait3A_93 = tpu.memref_slice %arg10[%add3A_92, %dma_wait3A] : memref<10240x64xbf16, #tpu.memory_space<vmem_shared>> -> memref<128x64xbf16, #tpu.memory_space<vmem_shared>>
    %dma_wait3A_94 = arith.constant 0 : i32
    %dma_wait3A_95 = tpu.memref_slice %arg10[%add3A_92, %dma_wait3A_94] : memref<10240x64xbf16, #tpu.memory_space<vmem_shared>> -> memref<128x64xbf16, #tpu.memory_space<vmem_shared>>
    tpu.wait_dma2 semaphore(%arg15 : memref<!tpu.dma_semaphore, #tpu.memory_space<semaphore_mem>>) src(%arg7 : memref<128x64xbf16, #tpu.memory_space<vmem>>) dst(%dma_wait3A_95 : memref<128x64xbf16, #tpu.memory_space<vmem_shared>>)
    %add3A_96 = arith.constant 128 : i32
    %add3A_97 = arith.addi %mul3A_0, %add3A_96 : i32
    %dma_wait3A_98 = arith.constant 0 : i32
    %dma_wait3A_99 = tpu.memref_slice %arg10[%add3A_97, %dma_wait3A_98] : memref<10240x64xbf16, #tpu.memory_space<vmem_shared>> -> memref<128x64xbf16, #tpu.memory_space<vmem_shared>>
    %dma_wait3A_100 = arith.constant 0 : i32
    %dma_wait3A_101 = tpu.memref_slice %arg10[%add3A_97, %dma_wait3A_100] : memref<10240x64xbf16, #tpu.memory_space<vmem_shared>> -> memref<128x64xbf16, #tpu.memory_space<vmem_shared>>
    tpu.wait_dma2 semaphore(%arg15 : memref<!tpu.dma_semaphore, #tpu.memory_space<semaphore_mem>>) src(%arg7 : memref<128x64xbf16, #tpu.memory_space<vmem>>) dst(%dma_wait3A_101 : memref<128x64xbf16, #tpu.memory_space<vmem_shared>>)
    %add3A_102 = arith.constant 256 : i32
    %add3A_103 = arith.addi %mul3A_0, %add3A_102 : i32
    %dma_wait3A_104 = arith.constant 0 : i32
    %dma_wait3A_105 = tpu.memref_slice %arg10[%add3A_103, %dma_wait3A_104] : memref<10240x64xbf16, #tpu.memory_space<vmem_shared>> -> memref<128x64xbf16, #tpu.memory_space<vmem_shared>>
    %dma_wait3A_106 = arith.constant 0 : i32
    %dma_wait3A_107 = tpu.memref_slice %arg10[%add3A_103, %dma_wait3A_106] : memref<10240x64xbf16, #tpu.memory_space<vmem_shared>> -> memref<128x64xbf16, #tpu.memory_space<vmem_shared>>
    tpu.wait_dma2 semaphore(%arg15 : memref<!tpu.dma_semaphore, #tpu.memory_space<semaphore_mem>>) src(%arg7 : memref<128x64xbf16, #tpu.memory_space<vmem>>) dst(%dma_wait3A_107 : memref<128x64xbf16, #tpu.memory_space<vmem_shared>>)
    %add3A_108 = arith.constant 384 : i32
    %add3A_109 = arith.addi %mul3A_0, %add3A_108 : i32
    %dma_wait3A_110 = arith.constant 0 : i32
    %dma_wait3A_111 = tpu.memref_slice %arg10[%add3A_109, %dma_wait3A_110] : memref<10240x64xbf16, #tpu.memory_space<vmem_shared>> -> memref<128x64xbf16, #tpu.memory_space<vmem_shared>>
    %dma_wait3A_112 = arith.constant 0 : i32
    %dma_wait3A_113 = tpu.memref_slice %arg10[%add3A_109, %dma_wait3A_112] : memref<10240x64xbf16, #tpu.memory_space<vmem_shared>> -> memref<128x64xbf16, #tpu.memory_space<vmem_shared>>
    tpu.wait_dma2 semaphore(%arg15 : memref<!tpu.dma_semaphore, #tpu.memory_space<semaphore_mem>>) src(%arg7 : memref<128x64xbf16, #tpu.memory_space<vmem>>) dst(%dma_wait3A_113 : memref<128x64xbf16, #tpu.memory_space<vmem_shared>>)
    %add3A_114 = arith.constant 512 : i32
    %add3A_115 = arith.addi %mul3A_0, %add3A_114 : i32
    %dma_wait3A_116 = arith.constant 0 : i32
    %dma_wait3A_117 = tpu.memref_slice %arg10[%add3A_115, %dma_wait3A_116] : memref<10240x64xbf16, #tpu.memory_space<vmem_shared>> -> memref<128x64xbf16, #tpu.memory_space<vmem_shared>>
    %dma_wait3A_118 = arith.constant 0 : i32
    %dma_wait3A_119 = tpu.memref_slice %arg10[%add3A_115, %dma_wait3A_118] : memref<10240x64xbf16, #tpu.memory_space<vmem_shared>> -> memref<128x64xbf16, #tpu.memory_space<vmem_shared>>
    tpu.wait_dma2 semaphore(%arg15 : memref<!tpu.dma_semaphore, #tpu.memory_space<semaphore_mem>>) src(%arg7 : memref<128x64xbf16, #tpu.memory_space<vmem>>) dst(%dma_wait3A_119 : memref<128x64xbf16, #tpu.memory_space<vmem_shared>>)
    %add3A_120 = arith.constant 0 : i32
    %add3A_121 = arith.addi %mul3A_0, %add3A_120 : i32
    %dma_wait3A_122 = arith.constant 0 : i32
    %dma_wait3A_123 = tpu.memref_slice %arg11[%add3A_121, %dma_wait3A_122] : memref<10240x64xbf16, #tpu.memory_space<vmem_shared>> -> memref<128x64xbf16, #tpu.memory_space<vmem_shared>>
    %dma_wait3A_124 = arith.constant 0 : i32
    %dma_wait3A_125 = tpu.memref_slice %arg11[%add3A_121, %dma_wait3A_124] : memref<10240x64xbf16, #tpu.memory_space<vmem_shared>> -> memref<128x64xbf16, #tpu.memory_space<vmem_shared>>
    tpu.wait_dma2 semaphore(%arg15 : memref<!tpu.dma_semaphore, #tpu.memory_space<semaphore_mem>>) src(%arg7 : memref<128x64xbf16, #tpu.memory_space<vmem>>) dst(%dma_wait3A_125 : memref<128x64xbf16, #tpu.memory_space<vmem_shared>>)
    %add3A_126 = arith.constant 128 : i32
    %add3A_127 = arith.addi %mul3A_0, %add3A_126 : i32
    %dma_wait3A_128 = arith.constant 0 : i32
    %dma_wait3A_129 = tpu.memref_slice %arg11[%add3A_127, %dma_wait3A_128] : memref<10240x64xbf16, #tpu.memory_space<vmem_shared>> -> memref<128x64xbf16, #tpu.memory_space<vmem_shared>>
    %dma_wait3A_130 = arith.constant 0 : i32
    %dma_wait3A_131 = tpu.memref_slice %arg11[%add3A_127, %dma_wait3A_130] : memref<10240x64xbf16, #tpu.memory_space<vmem_shared>> -> memref<128x64xbf16, #tpu.memory_space<vmem_shared>>
    tpu.wait_dma2 semaphore(%arg15 : memref<!tpu.dma_semaphore, #tpu.memory_space<semaphore_mem>>) src(%arg7 : memref<128x64xbf16, #tpu.memory_space<vmem>>) dst(%dma_wait3A_131 : memref<128x64xbf16, #tpu.memory_space<vmem_shared>>)
    %add3A_132 = arith.constant 256 : i32
    %add3A_133 = arith.addi %mul3A_0, %add3A_132 : i32
    %dma_wait3A_134 = arith.constant 0 : i32
    %dma_wait3A_135 = tpu.memref_slice %arg11[%add3A_133, %dma_wait3A_134] : memref<10240x64xbf16, #tpu.memory_space<vmem_shared>> -> memref<128x64xbf16, #tpu.memory_space<vmem_shared>>
    %dma_wait3A_136 = arith.constant 0 : i32
    %dma_wait3A_137 = tpu.memref_slice %arg11[%add3A_133, %dma_wait3A_136] : memref<10240x64xbf16, #tpu.memory_space<vmem_shared>> -> memref<128x64xbf16, #tpu.memory_space<vmem_shared>>
    tpu.wait_dma2 semaphore(%arg15 : memref<!tpu.dma_semaphore, #tpu.memory_space<semaphore_mem>>) src(%arg7 : memref<128x64xbf16, #tpu.memory_space<vmem>>) dst(%dma_wait3A_137 : memref<128x64xbf16, #tpu.memory_space<vmem_shared>>)
    %add3A_138 = arith.constant 384 : i32
    %add3A_139 = arith.addi %mul3A_0, %add3A_138 : i32
    %dma_wait3A_140 = arith.constant 0 : i32
    %dma_wait3A_141 = tpu.memref_slice %arg11[%add3A_139, %dma_wait3A_140] : memref<10240x64xbf16, #tpu.memory_space<vmem_shared>> -> memref<128x64xbf16, #tpu.memory_space<vmem_shared>>
    %dma_wait3A_142 = arith.constant 0 : i32
    %dma_wait3A_143 = tpu.memref_slice %arg11[%add3A_139, %dma_wait3A_142] : memref<10240x64xbf16, #tpu.memory_space<vmem_shared>> -> memref<128x64xbf16, #tpu.memory_space<vmem_shared>>
    tpu.wait_dma2 semaphore(%arg15 : memref<!tpu.dma_semaphore, #tpu.memory_space<semaphore_mem>>) src(%arg7 : memref<128x64xbf16, #tpu.memory_space<vmem>>) dst(%dma_wait3A_143 : memref<128x64xbf16, #tpu.memory_space<vmem_shared>>)
    %add3A_144 = arith.constant 512 : i32
    %add3A_145 = arith.addi %mul3A_0, %add3A_144 : i32
    %dma_wait3A_146 = arith.constant 0 : i32
    %dma_wait3A_147 = tpu.memref_slice %arg11[%add3A_145, %dma_wait3A_146] : memref<10240x64xbf16, #tpu.memory_space<vmem_shared>> -> memref<128x64xbf16, #tpu.memory_space<vmem_shared>>
    %dma_wait3A_148 = arith.constant 0 : i32
    %dma_wait3A_149 = tpu.memref_slice %arg11[%add3A_145, %dma_wait3A_148] : memref<10240x64xbf16, #tpu.memory_space<vmem_shared>> -> memref<128x64xbf16, #tpu.memory_space<vmem_shared>>
    tpu.wait_dma2 semaphore(%arg15 : memref<!tpu.dma_semaphore, #tpu.memory_space<semaphore_mem>>) src(%arg7 : memref<128x64xbf16, #tpu.memory_space<vmem>>) dst(%dma_wait3A_149 : memref<128x64xbf16, #tpu.memory_space<vmem_shared>>)
    %lt3A_150 = arith.constant 15 : i32
    %lt3A_151 = arith.cmpi slt, %arg1, %lt3A_150 : i32
    %convert_element_type3A_152 = arith.extui %lt3A_151 : i1 to i32
    %cond3A_153 = arith.constant 0 : i32
    %cond3A_154 = arith.cmpi ne, %convert_element_type3A_152, %cond3A_153 : i32
    scf.if %cond3A_154 {
      %dma_wait3A_276 = arith.constant 0 : i32
      %dma_wait3A_277 = tpu.memref_slice %arg9[%mul3A_0, %dma_wait3A_276] : memref<10240x64xbf16, #tpu.memory_space<vmem_shared>> -> memref<640x64xbf16, #tpu.memory_space<vmem_shared>>
      %dma_wait3A_278 = tpu.memref_slice %arg2[%mul3A_0, %mul3A_2] : memref<10000x128xbf16, #tpu.memory_space<hbm>> -> memref<640x64xbf16, #tpu.memory_space<hbm>>
      tpu.wait_dma2 semaphore(%arg13 : memref<!tpu.dma_semaphore, #tpu.memory_space<semaphore_mem>>) src(%dma_wait3A_278 : memref<640x64xbf16, #tpu.memory_space<hbm>>) dst(%dma_wait3A_277 : memref<640x64xbf16, #tpu.memory_space<vmem_shared>>)
    } else {
    }
    %eq3A_155 = arith.constant 15 : i32
    %eq3A_156 = arith.cmpi eq, %arg1, %eq3A_155 : i32
    %convert_element_type3A_157 = arith.extui %eq3A_156 : i1 to i32
    %cond3A_158 = arith.constant 0 : i32
    %cond3A_159 = arith.cmpi ne, %convert_element_type3A_157, %cond3A_158 : i32
    scf.if %cond3A_159 {
      %dma_wait3A_276 = arith.constant 0 : i32
      %dma_wait3A_277 = tpu.memref_slice %arg9[%mul3A_0, %dma_wait3A_276] : memref<10240x64xbf16, #tpu.memory_space<vmem_shared>> -> memref<400x64xbf16, #tpu.memory_space<vmem_shared>>
      %dma_wait3A_278 = tpu.memref_slice %arg2[%mul3A_0, %mul3A_2] : memref<10000x128xbf16, #tpu.memory_space<hbm>> -> memref<400x64xbf16, #tpu.memory_space<hbm>>
      tpu.wait_dma2 semaphore(%arg13 : memref<!tpu.dma_semaphore, #tpu.memory_space<semaphore_mem>>) src(%dma_wait3A_278 : memref<400x64xbf16, #tpu.memory_space<hbm>>) dst(%dma_wait3A_277 : memref<400x64xbf16, #tpu.memory_space<vmem_shared>>)
    } else {
    }
    %barrier3A = arith.constant 0 : index
    tpu.barrier barrier_id(%barrier3A)
    %add3A_160 = arith.constant 0 : i32
    %add3A_161 = arith.addi %add3A, %add3A_160 : i32
    %dma_wait3A_162 = arith.constant 0 : i32
    %dma_wait3A_163 = arith.constant 0 : i32
    %dma_wait3A_164 = tpu.memref_slice %arg3[%dma_wait3A_162, %add3A_161, %dma_wait3A_163] : memref<2x2500x128xi32, #tpu.memory_space<hbm>> -> memref<1x78x128xi32, #tpu.memory_space<hbm>>
    %dma_wait3A_165 = tpu.memref_squeeze %dma_wait3A_164 : memref<1x78x128xi32, #tpu.memory_space<hbm>> -> memref<78x128xi32, #tpu.memory_space<hbm>>
    %dma_wait3A_166 = arith.constant 0 : i32
    %dma_wait3A_167 = tpu.memref_slice %arg3[%dma_wait3A_162, %add3A_161, %dma_wait3A_166] : memref<2x2500x128xi32, #tpu.memory_space<hbm>> -> memref<1x78x128xi32, #tpu.memory_space<hbm>>
    %dma_wait3A_168 = tpu.memref_squeeze %dma_wait3A_167 : memref<1x78x128xi32, #tpu.memory_space<hbm>> -> memref<78x128xi32, #tpu.memory_space<hbm>>
    tpu.wait_dma2 semaphore(%arg12 : memref<!tpu.dma_semaphore, #tpu.memory_space<semaphore_mem>>) src(%dma_wait3A_168 : memref<78x128xi32, #tpu.memory_space<hbm>>) dst(%arg5 : memref<78x128xi32, #tpu.memory_space<vmem>>)
    %dma_wait3A_169 = arith.constant 1 : i32
    %dma_wait3A_170 = arith.constant 0 : i32
    %dma_wait3A_171 = tpu.memref_slice %arg3[%dma_wait3A_169, %add3A_161, %dma_wait3A_170] : memref<2x2500x128xi32, #tpu.memory_space<hbm>> -> memref<1x78x128xi32, #tpu.memory_space<hbm>>
    %dma_wait3A_172 = tpu.memref_squeeze %dma_wait3A_171 : memref<1x78x128xi32, #tpu.memory_space<hbm>> -> memref<78x128xi32, #tpu.memory_space<hbm>>
    %dma_wait3A_173 = arith.constant 0 : i32
    %dma_wait3A_174 = tpu.memref_slice %arg3[%dma_wait3A_169, %add3A_161, %dma_wait3A_173] : memref<2x2500x128xi32, #tpu.memory_space<hbm>> -> memref<1x78x128xi32, #tpu.memory_space<hbm>>
    %dma_wait3A_175 = tpu.memref_squeeze %dma_wait3A_174 : memref<1x78x128xi32, #tpu.memory_space<hbm>> -> memref<78x128xi32, #tpu.memory_space<hbm>>
    tpu.wait_dma2 semaphore(%arg12 : memref<!tpu.dma_semaphore, #tpu.memory_space<semaphore_mem>>) src(%dma_wait3A_175 : memref<78x128xi32, #tpu.memory_space<hbm>>) dst(%arg6 : memref<78x128xi32, #tpu.memory_space<vmem>>)
    %dma_start3A_176 = arith.constant 0 : i32
    %dma_start3A_177 = arith.constant 0 : i32
    %dma_start3A_178 = tpu.memref_slice %arg5[%dma_start3A_176, %dma_start3A_177] : memref<78x128xi32, #tpu.memory_space<vmem>> -> memref<1x128xi32, #tpu.memory_space<vmem>>
    %dma_start3A_179 = tpu.memref_squeeze %dma_start3A_178 : memref<1x128xi32, #tpu.memory_space<vmem>> -> memref<128xi32, #tpu.memory_space<vmem>>
    %dma_start3A_180 = arith.constant 0 : i32
    %dma_start3A_181 = arith.constant 0 : i32
    %dma_start3A_182 = tpu.memref_slice %arg9[%dma_start3A_180, %dma_start3A_181] : memref<10240x64xbf16, #tpu.memory_space<vmem_shared>> -> memref<10240x64xbf16, #tpu.memory_space<vmem_shared>>
    tpu.enqueue_indirect_dma source(%dma_start3A_182 : memref<10240x64xbf16, #tpu.memory_space<vmem_shared>>) target(%arg7 : memref<128x64xbf16, #tpu.memory_space<vmem>>) offsets(%dma_start3A_179 : memref<128xi32, #tpu.memory_space<vmem>>) semaphore(%arg13 : memref<!tpu.dma_semaphore, #tpu.memory_space<semaphore_mem>>)
    %scan3A_183 = arith.constant 0 : i32
    %scan3A_184 = arith.constant 0 : i32
    %scan3A_185 = arith.constant 39 : i32
    %scan3A_186 = arith.addi %scan3A_184, %scan3A_185 : i32
    %scan3A_187 = arith.constant 1 : i32
    %scan3A_188 = scf.for %scan3A_276 = %scan3A_184 to %scan3A_186 step %scan3A_187 iter_args(%scan3A_277 = %scan3A_183) -> (i32)  : i32 {
      %mul3A_278 = arith.constant 2 : i32
      %mul3A_279 = arith.muli %mul3A_278, %scan3A_276 : i32
      %dma_wait3A_280 = arith.constant 0 : i32
      %dma_wait3A_281 = arith.constant 0 : i32
      %dma_wait3A_282 = tpu.memref_slice %arg5[%dma_wait3A_280, %dma_wait3A_281] : memref<78x128xi32, #tpu.memory_space<vmem>> -> memref<1x128xi32, #tpu.memory_space<vmem>>
      %dma_wait3A_283 = tpu.memref_squeeze %dma_wait3A_282 : memref<1x128xi32, #tpu.memory_space<vmem>> -> memref<128xi32, #tpu.memory_space<vmem>>
      %dma_wait3A_284 = arith.constant 0 : i32
      %dma_wait3A_285 = arith.constant 0 : i32
      %dma_wait3A_286 = tpu.memref_slice %arg9[%dma_wait3A_284, %dma_wait3A_285] : memref<10240x64xbf16, #tpu.memory_space<vmem_shared>> -> memref<10240x64xbf16, #tpu.memory_space<vmem_shared>>
      tpu.wait_indirect_dma semaphore(%arg13 : memref<!tpu.dma_semaphore, #tpu.memory_space<semaphore_mem>>) src(%dma_wait3A_286 : memref<10240x64xbf16, #tpu.memory_space<vmem_shared>>) dst(%arg7 : memref<128x64xbf16, #tpu.memory_space<vmem>>)
      %gt3A = arith.constant 0 : i32
      %gt3A_287 = arith.cmpi sgt, %scan3A_276, %gt3A : i32
      %convert_element_type3A_288 = arith.extui %gt3A_287 : i1 to i32
      %cond3A_289 = arith.constant 0 : i32
      %cond3A_290 = arith.cmpi ne, %convert_element_type3A_288, %cond3A_289 : i32
      scf.if %cond3A_290 {
        %dma_wait3A_333 = arith.constant 0 : i32
        %dma_wait3A_334 = arith.constant 0 : i32
        %dma_wait3A_335 = tpu.memref_slice %arg6[%dma_wait3A_333, %dma_wait3A_334] : memref<78x128xi32, #tpu.memory_space<vmem>> -> memref<1x128xi32, #tpu.memory_space<vmem>>
        %dma_wait3A_336 = tpu.memref_squeeze %dma_wait3A_335 : memref<1x128xi32, #tpu.memory_space<vmem>> -> memref<128xi32, #tpu.memory_space<vmem>>
        %dma_wait3A_337 = arith.constant 0 : i32
        %dma_wait3A_338 = arith.constant 0 : i32
        %dma_wait3A_339 = tpu.memref_slice %arg10[%dma_wait3A_337, %dma_wait3A_338] : memref<10240x64xbf16, #tpu.memory_space<vmem_shared>> -> memref<10240x64xbf16, #tpu.memory_space<vmem_shared>>
        tpu.wait_indirect_dma semaphore(%arg16 : memref<!tpu.dma_semaphore, #tpu.memory_space<semaphore_mem>>) src(%arg8 : memref<128x64xbf16, #tpu.memory_space<vmem>>) dst(%dma_wait3A_339 : memref<10240x64xbf16, #tpu.memory_space<vmem_shared>>)
      } else {
      }
      %add3A_291 = arith.constant 1 : i32
      %add3A_292 = arith.addi %mul3A_279, %add3A_291 : i32
      %dma_start3A_293 = arith.constant 0 : i32
      %dma_start3A_294 = tpu.memref_slice %arg5[%add3A_292, %dma_start3A_293] : memref<78x128xi32, #tpu.memory_space<vmem>> -> memref<1x128xi32, #tpu.memory_space<vmem>>
      %dma_start3A_295 = tpu.memref_squeeze %dma_start3A_294 : memref<1x128xi32, #tpu.memory_space<vmem>> -> memref<128xi32, #tpu.memory_space<vmem>>
      %dma_start3A_296 = arith.constant 0 : i32
      %dma_start3A_297 = arith.constant 0 : i32
      %dma_start3A_298 = tpu.memref_slice %arg9[%dma_start3A_296, %dma_start3A_297] : memref<10240x64xbf16, #tpu.memory_space<vmem_shared>> -> memref<10240x64xbf16, #tpu.memory_space<vmem_shared>>
      tpu.enqueue_indirect_dma source(%dma_start3A_298 : memref<10240x64xbf16, #tpu.memory_space<vmem_shared>>) target(%arg8 : memref<128x64xbf16, #tpu.memory_space<vmem>>) offsets(%dma_start3A_295 : memref<128xi32, #tpu.memory_space<vmem>>) semaphore(%arg14 : memref<!tpu.dma_semaphore, #tpu.memory_space<semaphore_mem>>)
      %dma_start3A_299 = arith.constant 0 : i32
      %dma_start3A_300 = tpu.memref_slice %arg6[%mul3A_279, %dma_start3A_299] : memref<78x128xi32, #tpu.memory_space<vmem>> -> memref<1x128xi32, #tpu.memory_space<vmem>>
      %dma_start3A_301 = tpu.memref_squeeze %dma_start3A_300 : memref<1x128xi32, #tpu.memory_space<vmem>> -> memref<128xi32, #tpu.memory_space<vmem>>
      %dma_start3A_302 = arith.constant 0 : i32
      %dma_start3A_303 = arith.constant 0 : i32
      %dma_start3A_304 = tpu.memref_slice %arg10[%dma_start3A_302, %dma_start3A_303] : memref<10240x64xbf16, #tpu.memory_space<vmem_shared>> -> memref<10240x64xbf16, #tpu.memory_space<vmem_shared>>
      tpu.enqueue_indirect_dma source(%arg7 : memref<128x64xbf16, #tpu.memory_space<vmem>>) target(%dma_start3A_304 : memref<10240x64xbf16, #tpu.memory_space<vmem_shared>>) offsets(%dma_start3A_301 : memref<128xi32, #tpu.memory_space<vmem>>) semaphore(%arg15 : memref<!tpu.dma_semaphore, #tpu.memory_space<semaphore_mem>>) {add = true}
      %dma_wait3A_305 = arith.constant 0 : i32
      %dma_wait3A_306 = arith.constant 0 : i32
      %dma_wait3A_307 = tpu.memref_slice %arg5[%dma_wait3A_305, %dma_wait3A_306] : memref<78x128xi32, #tpu.memory_space<vmem>> -> memref<1x128xi32, #tpu.memory_space<vmem>>
      %dma_wait3A_308 = tpu.memref_squeeze %dma_wait3A_307 : memref<1x128xi32, #tpu.memory_space<vmem>> -> memref<128xi32, #tpu.memory_space<vmem>>
      %dma_wait3A_309 = arith.constant 0 : i32
      %dma_wait3A_310 = arith.constant 0 : i32
      %dma_wait3A_311 = tpu.memref_slice %arg9[%dma_wait3A_309, %dma_wait3A_310] : memref<10240x64xbf16, #tpu.memory_space<vmem_shared>> -> memref<10240x64xbf16, #tpu.memory_space<vmem_shared>>
      tpu.wait_indirect_dma semaphore(%arg14 : memref<!tpu.dma_semaphore, #tpu.memory_space<semaphore_mem>>) src(%dma_wait3A_311 : memref<10240x64xbf16, #tpu.memory_space<vmem_shared>>) dst(%arg8 : memref<128x64xbf16, #tpu.memory_space<vmem>>)
      %dma_wait3A_312 = arith.constant 0 : i32
      %dma_wait3A_313 = arith.constant 0 : i32
      %dma_wait3A_314 = tpu.memref_slice %arg6[%dma_wait3A_312, %dma_wait3A_313] : memref<78x128xi32, #tpu.memory_space<vmem>> -> memref<1x128xi32, #tpu.memory_space<vmem>>
      %dma_wait3A_315 = tpu.memref_squeeze %dma_wait3A_314 : memref<1x128xi32, #tpu.memory_space<vmem>> -> memref<128xi32, #tpu.memory_space<vmem>>
      %dma_wait3A_316 = arith.constant 0 : i32
      %dma_wait3A_317 = arith.constant 0 : i32
      %dma_wait3A_318 = tpu.memref_slice %arg10[%dma_wait3A_316, %dma_wait3A_317] : memref<10240x64xbf16, #tpu.memory_space<vmem_shared>> -> memref<10240x64xbf16, #tpu.memory_space<vmem_shared>>
      tpu.wait_indirect_dma semaphore(%arg15 : memref<!tpu.dma_semaphore, #tpu.memory_space<semaphore_mem>>) src(%arg7 : memref<128x64xbf16, #tpu.memory_space<vmem>>) dst(%dma_wait3A_318 : memref<10240x64xbf16, #tpu.memory_space<vmem_shared>>)
      %lt3A_319 = arith.constant 38 : i32
      %lt3A_320 = arith.cmpi slt, %scan3A_276, %lt3A_319 : i32
      %convert_element_type3A_321 = arith.extui %lt3A_320 : i1 to i32
      %cond3A_322 = arith.constant 0 : i32
      %cond3A_323 = arith.cmpi ne, %convert_element_type3A_321, %cond3A_322 : i32
      scf.if %cond3A_323 {
        %add3A_333 = arith.constant 2 : i32
        %add3A_334 = arith.addi %mul3A_279, %add3A_333 : i32
        %dma_start3A_335 = arith.constant 0 : i32
        %dma_start3A_336 = tpu.memref_slice %arg5[%add3A_334, %dma_start3A_335] : memref<78x128xi32, #tpu.memory_space<vmem>> -> memref<1x128xi32, #tpu.memory_space<vmem>>
        %dma_start3A_337 = tpu.memref_squeeze %dma_start3A_336 : memref<1x128xi32, #tpu.memory_space<vmem>> -> memref<128xi32, #tpu.memory_space<vmem>>
        %dma_start3A_338 = arith.constant 0 : i32
        %dma_start3A_339 = arith.constant 0 : i32
        %dma_start3A_340 = tpu.memref_slice %arg9[%dma_start3A_338, %dma_start3A_339] : memref<10240x64xbf16, #tpu.memory_space<vmem_shared>> -> memref<10240x64xbf16, #tpu.memory_space<vmem_shared>>
        tpu.enqueue_indirect_dma source(%dma_start3A_340 : memref<10240x64xbf16, #tpu.memory_space<vmem_shared>>) target(%arg7 : memref<128x64xbf16, #tpu.memory_space<vmem>>) offsets(%dma_start3A_337 : memref<128xi32, #tpu.memory_space<vmem>>) semaphore(%arg13 : memref<!tpu.dma_semaphore, #tpu.memory_space<semaphore_mem>>)
      } else {
      }
      %add3A_324 = arith.constant 1 : i32
      %add3A_325 = arith.addi %mul3A_279, %add3A_324 : i32
      %dma_start3A_326 = arith.constant 0 : i32
      %dma_start3A_327 = tpu.memref_slice %arg6[%add3A_325, %dma_start3A_326] : memref<78x128xi32, #tpu.memory_space<vmem>> -> memref<1x128xi32, #tpu.memory_space<vmem>>
      %dma_start3A_328 = tpu.memref_squeeze %dma_start3A_327 : memref<1x128xi32, #tpu.memory_space<vmem>> -> memref<128xi32, #tpu.memory_space<vmem>>
      %dma_start3A_329 = arith.constant 0 : i32
      %dma_start3A_330 = arith.constant 0 : i32
      %dma_start3A_331 = tpu.memref_slice %arg10[%dma_start3A_329, %dma_start3A_330] : memref<10240x64xbf16, #tpu.memory_space<vmem_shared>> -> memref<10240x64xbf16, #tpu.memory_space<vmem_shared>>
      tpu.enqueue_indirect_dma source(%arg8 : memref<128x64xbf16, #tpu.memory_space<vmem>>) target(%dma_start3A_331 : memref<10240x64xbf16, #tpu.memory_space<vmem_shared>>) offsets(%dma_start3A_328 : memref<128xi32, #tpu.memory_space<vmem>>) semaphore(%arg16 : memref<!tpu.dma_semaphore, #tpu.memory_space<semaphore_mem>>) {add = true}
      %scan3A_332 = arith.constant 0 : i32
      scf.yield %scan3A_332 : i32
    }
    %scan3A_189 = arith.constant 39 : i32
    %dma_wait3A_190 = arith.constant 0 : i32
    %dma_wait3A_191 = arith.constant 0 : i32
    %dma_wait3A_192 = tpu.memref_slice %arg6[%dma_wait3A_190, %dma_wait3A_191] : memref<78x128xi32, #tpu.memory_space<vmem>> -> memref<1x128xi32, #tpu.memory_space<vmem>>
    %dma_wait3A_193 = tpu.memref_squeeze %dma_wait3A_192 : memref<1x128xi32, #tpu.memory_space<vmem>> -> memref<128xi32, #tpu.memory_space<vmem>>
    %dma_wait3A_194 = arith.constant 0 : i32
    %dma_wait3A_195 = arith.constant 0 : i32
    %dma_wait3A_196 = tpu.memref_slice %arg10[%dma_wait3A_194, %dma_wait3A_195] : memref<10240x64xbf16, #tpu.memory_space<vmem_shared>> -> memref<10240x64xbf16, #tpu.memory_space<vmem_shared>>
    tpu.wait_indirect_dma semaphore(%arg16 : memref<!tpu.dma_semaphore, #tpu.memory_space<semaphore_mem>>) src(%arg8 : memref<128x64xbf16, #tpu.memory_space<vmem>>) dst(%dma_wait3A_196 : memref<10240x64xbf16, #tpu.memory_space<vmem_shared>>)
    %add3A_197 = arith.constant 78 : i32
    %add3A_198 = arith.addi %add3A, %add3A_197 : i32
    %dma_start3A_199 = arith.constant 0 : i32
    %dma_start3A_200 = arith.constant 0 : i32
    %dma_start3A_201 = tpu.memref_slice %arg3[%dma_start3A_199, %add3A_198, %dma_start3A_200] : memref<2x2500x128xi32, #tpu.memory_space<hbm>> -> memref<1x78x128xi32, #tpu.memory_space<hbm>>
    %dma_start3A_202 = tpu.memref_squeeze %dma_start3A_201 : memref<1x78x128xi32, #tpu.memory_space<hbm>> -> memref<78x128xi32, #tpu.memory_space<hbm>>
    %dma_start3A_203 = arith.constant 0 : i32
    %dma_start3A_204 = tpu.memref_slice %arg3[%dma_start3A_199, %add3A_198, %dma_start3A_203] : memref<2x2500x128xi32, #tpu.memory_space<hbm>> -> memref<1x78x128xi32, #tpu.memory_space<hbm>>
    %dma_start3A_205 = tpu.memref_squeeze %dma_start3A_204 : memref<1x78x128xi32, #tpu.memory_space<hbm>> -> memref<78x128xi32, #tpu.memory_space<hbm>>
    tpu.enqueue_dma source(%dma_start3A_205 : memref<78x128xi32, #tpu.memory_space<hbm>>) target(%arg5 : memref<78x128xi32, #tpu.memory_space<vmem>>) target_semaphore(%arg12 : memref<!tpu.dma_semaphore, #tpu.memory_space<semaphore_mem>>)
    %dma_start3A_206 = arith.constant 1 : i32
    %dma_start3A_207 = arith.constant 0 : i32
    %dma_start3A_208 = tpu.memref_slice %arg3[%dma_start3A_206, %add3A_198, %dma_start3A_207] : memref<2x2500x128xi32, #tpu.memory_space<hbm>> -> memref<1x78x128xi32, #tpu.memory_space<hbm>>
    %dma_start3A_209 = tpu.memref_squeeze %dma_start3A_208 : memref<1x78x128xi32, #tpu.memory_space<hbm>> -> memref<78x128xi32, #tpu.memory_space<hbm>>
    %dma_start3A_210 = arith.constant 0 : i32
    %dma_start3A_211 = tpu.memref_slice %arg3[%dma_start3A_206, %add3A_198, %dma_start3A_210] : memref<2x2500x128xi32, #tpu.memory_space<hbm>> -> memref<1x78x128xi32, #tpu.memory_space<hbm>>
    %dma_start3A_212 = tpu.memref_squeeze %dma_start3A_211 : memref<1x78x128xi32, #tpu.memory_space<hbm>> -> memref<78x128xi32, #tpu.memory_space<hbm>>
    tpu.enqueue_dma source(%dma_start3A_212 : memref<78x128xi32, #tpu.memory_space<hbm>>) target(%arg6 : memref<78x128xi32, #tpu.memory_space<vmem>>) target_semaphore(%arg12 : memref<!tpu.dma_semaphore, #tpu.memory_space<semaphore_mem>>)
    %add3A_213 = arith.constant 78 : i32
    %add3A_214 = arith.addi %add3A, %add3A_213 : i32
    %dma_wait3A_215 = arith.constant 0 : i32
    %dma_wait3A_216 = arith.constant 0 : i32
    %dma_wait3A_217 = tpu.memref_slice %arg3[%dma_wait3A_215, %add3A_214, %dma_wait3A_216] : memref<2x2500x128xi32, #tpu.memory_space<hbm>> -> memref<1x78x128xi32, #tpu.memory_space<hbm>>
    %dma_wait3A_218 = tpu.memref_squeeze %dma_wait3A_217 : memref<1x78x128xi32, #tpu.memory_space<hbm>> -> memref<78x128xi32, #tpu.memory_space<hbm>>
    %dma_wait3A_219 = arith.constant 0 : i32
    %dma_wait3A_220 = tpu.memref_slice %arg3[%dma_wait3A_215, %add3A_214, %dma_wait3A_219] : memref<2x2500x128xi32, #tpu.memory_space<hbm>> -> memref<1x78x128xi32, #tpu.memory_space<hbm>>
    %dma_wait3A_221 = tpu.memref_squeeze %dma_wait3A_220 : memref<1x78x128xi32, #tpu.memory_space<hbm>> -> memref<78x128xi32, #tpu.memory_space<hbm>>
    tpu.wait_dma2 semaphore(%arg12 : memref<!tpu.dma_semaphore, #tpu.memory_space<semaphore_mem>>) src(%dma_wait3A_221 : memref<78x128xi32, #tpu.memory_space<hbm>>) dst(%arg5 : memref<78x128xi32, #tpu.memory_space<vmem>>)
    %dma_wait3A_222 = arith.constant 1 : i32
    %dma_wait3A_223 = arith.constant 0 : i32
    %dma_wait3A_224 = tpu.memref_slice %arg3[%dma_wait3A_222, %add3A_214, %dma_wait3A_223] : memref<2x2500x128xi32, #tpu.memory_space<hbm>> -> memref<1x78x128xi32, #tpu.memory_space<hbm>>
    %dma_wait3A_225 = tpu.memref_squeeze %dma_wait3A_224 : memref<1x78x128xi32, #tpu.memory_space<hbm>> -> memref<78x128xi32, #tpu.memory_space<hbm>>
    %dma_wait3A_226 = arith.constant 0 : i32
    %dma_wait3A_227 = tpu.memref_slice %arg3[%dma_wait3A_222, %add3A_214, %dma_wait3A_226] : memref<2x2500x128xi32, #tpu.memory_space<hbm>> -> memref<1x78x128xi32, #tpu.memory_space<hbm>>
    %dma_wait3A_228 = tpu.memref_squeeze %dma_wait3A_227 : memref<1x78x128xi32, #tpu.memory_space<hbm>> -> memref<78x128xi32, #tpu.memory_space<hbm>>
    tpu.wait_dma2 semaphore(%arg12 : memref<!tpu.dma_semaphore, #tpu.memory_space<semaphore_mem>>) src(%dma_wait3A_228 : memref<78x128xi32, #tpu.memory_space<hbm>>) dst(%arg6 : memref<78x128xi32, #tpu.memory_space<vmem>>)
    %dma_start3A_229 = arith.constant 0 : i32
    %dma_start3A_230 = arith.constant 0 : i32
    %dma_start3A_231 = tpu.memref_slice %arg5[%dma_start3A_229, %dma_start3A_230] : memref<78x128xi32, #tpu.memory_space<vmem>> -> memref<1x128xi32, #tpu.memory_space<vmem>>
    %dma_start3A_232 = tpu.memref_squeeze %dma_start3A_231 : memref<1x128xi32, #tpu.memory_space<vmem>> -> memref<128xi32, #tpu.memory_space<vmem>>
    %dma_start3A_233 = arith.constant 0 : i32
    %dma_start3A_234 = arith.constant 0 : i32
    %dma_start3A_235 = tpu.memref_slice %arg9[%dma_start3A_233, %dma_start3A_234] : memref<10240x64xbf16, #tpu.memory_space<vmem_shared>> -> memref<10240x64xbf16, #tpu.memory_space<vmem_shared>>
    tpu.enqueue_indirect_dma source(%dma_start3A_235 : memref<10240x64xbf16, #tpu.memory_space<vmem_shared>>) target(%arg7 : memref<128x64xbf16, #tpu.memory_space<vmem>>) offsets(%dma_start3A_232 : memref<128xi32, #tpu.memory_space<vmem>>) semaphore(%arg13 : memref<!tpu.dma_semaphore, #tpu.memory_space<semaphore_mem>>)
    %scan3A_236 = arith.constant 0 : i32
    %scan3A_237 = arith.constant 0 : i32
    %scan3A_238 = arith.constant 39 : i32
    %scan3A_239 = arith.addi %scan3A_237, %scan3A_238 : i32
    %scan3A_240 = arith.constant 1 : i32
    %scan3A_241 = scf.for %scan3A_276 = %scan3A_237 to %scan3A_239 step %scan3A_240 iter_args(%scan3A_277 = %scan3A_236) -> (i32)  : i32 {
      %mul3A_278 = arith.constant 2 : i32
      %mul3A_279 = arith.muli %mul3A_278, %scan3A_276 : i32
      %dma_wait3A_280 = arith.constant 0 : i32
      %dma_wait3A_281 = arith.constant 0 : i32
      %dma_wait3A_282 = tpu.memref_slice %arg5[%dma_wait3A_280, %dma_wait3A_281] : memref<78x128xi32, #tpu.memory_space<vmem>> -> memref<1x128xi32, #tpu.memory_space<vmem>>
      %dma_wait3A_283 = tpu.memref_squeeze %dma_wait3A_282 : memref<1x128xi32, #tpu.memory_space<vmem>> -> memref<128xi32, #tpu.memory_space<vmem>>
      %dma_wait3A_284 = arith.constant 0 : i32
      %dma_wait3A_285 = arith.constant 0 : i32
      %dma_wait3A_286 = tpu.memref_slice %arg9[%dma_wait3A_284, %dma_wait3A_285] : memref<10240x64xbf16, #tpu.memory_space<vmem_shared>> -> memref<10240x64xbf16, #tpu.memory_space<vmem_shared>>
      tpu.wait_indirect_dma semaphore(%arg13 : memref<!tpu.dma_semaphore, #tpu.memory_space<semaphore_mem>>) src(%dma_wait3A_286 : memref<10240x64xbf16, #tpu.memory_space<vmem_shared>>) dst(%arg7 : memref<128x64xbf16, #tpu.memory_space<vmem>>)
      %gt3A = arith.constant 0 : i32
      %gt3A_287 = arith.cmpi sgt, %scan3A_276, %gt3A : i32
      %convert_element_type3A_288 = arith.extui %gt3A_287 : i1 to i32
      %cond3A_289 = arith.constant 0 : i32
      %cond3A_290 = arith.cmpi ne, %convert_element_type3A_288, %cond3A_289 : i32
      scf.if %cond3A_290 {
        %dma_wait3A_333 = arith.constant 0 : i32
        %dma_wait3A_334 = arith.constant 0 : i32
        %dma_wait3A_335 = tpu.memref_slice %arg6[%dma_wait3A_333, %dma_wait3A_334] : memref<78x128xi32, #tpu.memory_space<vmem>> -> memref<1x128xi32, #tpu.memory_space<vmem>>
        %dma_wait3A_336 = tpu.memref_squeeze %dma_wait3A_335 : memref<1x128xi32, #tpu.memory_space<vmem>> -> memref<128xi32, #tpu.memory_space<vmem>>
        %dma_wait3A_337 = arith.constant 0 : i32
        %dma_wait3A_338 = arith.constant 0 : i32
        %dma_wait3A_339 = tpu.memref_slice %arg11[%dma_wait3A_337, %dma_wait3A_338] : memref<10240x64xbf16, #tpu.memory_space<vmem_shared>> -> memref<10240x64xbf16, #tpu.memory_space<vmem_shared>>
        tpu.wait_indirect_dma semaphore(%arg16 : memref<!tpu.dma_semaphore, #tpu.memory_space<semaphore_mem>>) src(%arg8 : memref<128x64xbf16, #tpu.memory_space<vmem>>) dst(%dma_wait3A_339 : memref<10240x64xbf16, #tpu.memory_space<vmem_shared>>)
      } else {
      }
      %add3A_291 = arith.constant 1 : i32
      %add3A_292 = arith.addi %mul3A_279, %add3A_291 : i32
      %dma_start3A_293 = arith.constant 0 : i32
      %dma_start3A_294 = tpu.memref_slice %arg5[%add3A_292, %dma_start3A_293] : memref<78x128xi32, #tpu.memory_space<vmem>> -> memref<1x128xi32, #tpu.memory_space<vmem>>
      %dma_start3A_295 = tpu.memref_squeeze %dma_start3A_294 : memref<1x128xi32, #tpu.memory_space<vmem>> -> memref<128xi32, #tpu.memory_space<vmem>>
      %dma_start3A_296 = arith.constant 0 : i32
      %dma_start3A_297 = arith.constant 0 : i32
      %dma_start3A_298 = tpu.memref_slice %arg9[%dma_start3A_296, %dma_start3A_297] : memref<10240x64xbf16, #tpu.memory_space<vmem_shared>> -> memref<10240x64xbf16, #tpu.memory_space<vmem_shared>>
      tpu.enqueue_indirect_dma source(%dma_start3A_298 : memref<10240x64xbf16, #tpu.memory_space<vmem_shared>>) target(%arg8 : memref<128x64xbf16, #tpu.memory_space<vmem>>) offsets(%dma_start3A_295 : memref<128xi32, #tpu.memory_space<vmem>>) semaphore(%arg14 : memref<!tpu.dma_semaphore, #tpu.memory_space<semaphore_mem>>)
      %dma_start3A_299 = arith.constant 0 : i32
      %dma_start3A_300 = tpu.memref_slice %arg6[%mul3A_279, %dma_start3A_299] : memref<78x128xi32, #tpu.memory_space<vmem>> -> memref<1x128xi32, #tpu.memory_space<vmem>>
      %dma_start3A_301 = tpu.memref_squeeze %dma_start3A_300 : memref<1x128xi32, #tpu.memory_space<vmem>> -> memref<128xi32, #tpu.memory_space<vmem>>
      %dma_start3A_302 = arith.constant 0 : i32
      %dma_start3A_303 = arith.constant 0 : i32
      %dma_start3A_304 = tpu.memref_slice %arg11[%dma_start3A_302, %dma_start3A_303] : memref<10240x64xbf16, #tpu.memory_space<vmem_shared>> -> memref<10240x64xbf16, #tpu.memory_space<vmem_shared>>
      tpu.enqueue_indirect_dma source(%arg7 : memref<128x64xbf16, #tpu.memory_space<vmem>>) target(%dma_start3A_304 : memref<10240x64xbf16, #tpu.memory_space<vmem_shared>>) offsets(%dma_start3A_301 : memref<128xi32, #tpu.memory_space<vmem>>) semaphore(%arg15 : memref<!tpu.dma_semaphore, #tpu.memory_space<semaphore_mem>>) {add = true}
      %dma_wait3A_305 = arith.constant 0 : i32
      %dma_wait3A_306 = arith.constant 0 : i32
      %dma_wait3A_307 = tpu.memref_slice %arg5[%dma_wait3A_305, %dma_wait3A_306] : memref<78x128xi32, #tpu.memory_space<vmem>> -> memref<1x128xi32, #tpu.memory_space<vmem>>
      %dma_wait3A_308 = tpu.memref_squeeze %dma_wait3A_307 : memref<1x128xi32, #tpu.memory_space<vmem>> -> memref<128xi32, #tpu.memory_space<vmem>>
      %dma_wait3A_309 = arith.constant 0 : i32
      %dma_wait3A_310 = arith.constant 0 : i32
      %dma_wait3A_311 = tpu.memref_slice %arg9[%dma_wait3A_309, %dma_wait3A_310] : memref<10240x64xbf16, #tpu.memory_space<vmem_shared>> -> memref<10240x64xbf16, #tpu.memory_space<vmem_shared>>
      tpu.wait_indirect_dma semaphore(%arg14 : memref<!tpu.dma_semaphore, #tpu.memory_space<semaphore_mem>>) src(%dma_wait3A_311 : memref<10240x64xbf16, #tpu.memory_space<vmem_shared>>) dst(%arg8 : memref<128x64xbf16, #tpu.memory_space<vmem>>)
      %dma_wait3A_312 = arith.constant 0 : i32
      %dma_wait3A_313 = arith.constant 0 : i32
      %dma_wait3A_314 = tpu.memref_slice %arg6[%dma_wait3A_312, %dma_wait3A_313] : memref<78x128xi32, #tpu.memory_space<vmem>> -> memref<1x128xi32, #tpu.memory_space<vmem>>
      %dma_wait3A_315 = tpu.memref_squeeze %dma_wait3A_314 : memref<1x128xi32, #tpu.memory_space<vmem>> -> memref<128xi32, #tpu.memory_space<vmem>>
      %dma_wait3A_316 = arith.constant 0 : i32
      %dma_wait3A_317 = arith.constant 0 : i32
      %dma_wait3A_318 = tpu.memref_slice %arg11[%dma_wait3A_316, %dma_wait3A_317] : memref<10240x64xbf16, #tpu.memory_space<vmem_shared>> -> memref<10240x64xbf16, #tpu.memory_space<vmem_shared>>
      tpu.wait_indirect_dma semaphore(%arg15 : memref<!tpu.dma_semaphore, #tpu.memory_space<semaphore_mem>>) src(%arg7 : memref<128x64xbf16, #tpu.memory_space<vmem>>) dst(%dma_wait3A_318 : memref<10240x64xbf16, #tpu.memory_space<vmem_shared>>)
      %lt3A_319 = arith.constant 38 : i32
      %lt3A_320 = arith.cmpi slt, %scan3A_276, %lt3A_319 : i32
      %convert_element_type3A_321 = arith.extui %lt3A_320 : i1 to i32
      %cond3A_322 = arith.constant 0 : i32
      %cond3A_323 = arith.cmpi ne, %convert_element_type3A_321, %cond3A_322 : i32
      scf.if %cond3A_323 {
        %add3A_333 = arith.constant 2 : i32
        %add3A_334 = arith.addi %mul3A_279, %add3A_333 : i32
        %dma_start3A_335 = arith.constant 0 : i32
        %dma_start3A_336 = tpu.memref_slice %arg5[%add3A_334, %dma_start3A_335] : memref<78x128xi32, #tpu.memory_space<vmem>> -> memref<1x128xi32, #tpu.memory_space<vmem>>
        %dma_start3A_337 = tpu.memref_squeeze %dma_start3A_336 : memref<1x128xi32, #tpu.memory_space<vmem>> -> memref<128xi32, #tpu.memory_space<vmem>>
        %dma_start3A_338 = arith.constant 0 : i32
        %dma_start3A_339 = arith.constant 0 : i32
        %dma_start3A_340 = tpu.memref_slice %arg9[%dma_start3A_338, %dma_start3A_339] : memref<10240x64xbf16, #tpu.memory_space<vmem_shared>> -> memref<10240x64xbf16, #tpu.memory_space<vmem_shared>>
        tpu.enqueue_indirect_dma source(%dma_start3A_340 : memref<10240x64xbf16, #tpu.memory_space<vmem_shared>>) target(%arg7 : memref<128x64xbf16, #tpu.memory_space<vmem>>) offsets(%dma_start3A_337 : memref<128xi32, #tpu.memory_space<vmem>>) semaphore(%arg13 : memref<!tpu.dma_semaphore, #tpu.memory_space<semaphore_mem>>)
      } else {
      }
      %add3A_324 = arith.constant 1 : i32
      %add3A_325 = arith.addi %mul3A_279, %add3A_324 : i32
      %dma_start3A_326 = arith.constant 0 : i32
      %dma_start3A_327 = tpu.memref_slice %arg6[%add3A_325, %dma_start3A_326] : memref<78x128xi32, #tpu.memory_space<vmem>> -> memref<1x128xi32, #tpu.memory_space<vmem>>
      %dma_start3A_328 = tpu.memref_squeeze %dma_start3A_327 : memref<1x128xi32, #tpu.memory_space<vmem>> -> memref<128xi32, #tpu.memory_space<vmem>>
      %dma_start3A_329 = arith.constant 0 : i32
      %dma_start3A_330 = arith.constant 0 : i32
      %dma_start3A_331 = tpu.memref_slice %arg11[%dma_start3A_329, %dma_start3A_330] : memref<10240x64xbf16, #tpu.memory_space<vmem_shared>> -> memref<10240x64xbf16, #tpu.memory_space<vmem_shared>>
      tpu.enqueue_indirect_dma source(%arg8 : memref<128x64xbf16, #tpu.memory_space<vmem>>) target(%dma_start3A_331 : memref<10240x64xbf16, #tpu.memory_space<vmem_shared>>) offsets(%dma_start3A_328 : memref<128xi32, #tpu.memory_space<vmem>>) semaphore(%arg16 : memref<!tpu.dma_semaphore, #tpu.memory_space<semaphore_mem>>) {add = true}
      %scan3A_332 = arith.constant 0 : i32
      scf.yield %scan3A_332 : i32
    }
    %scan3A_242 = arith.constant 39 : i32
    %dma_wait3A_243 = arith.constant 0 : i32
    %dma_wait3A_244 = arith.constant 0 : i32
    %dma_wait3A_245 = tpu.memref_slice %arg6[%dma_wait3A_243, %dma_wait3A_244] : memref<78x128xi32, #tpu.memory_space<vmem>> -> memref<1x128xi32, #tpu.memory_space<vmem>>
    %dma_wait3A_246 = tpu.memref_squeeze %dma_wait3A_245 : memref<1x128xi32, #tpu.memory_space<vmem>> -> memref<128xi32, #tpu.memory_space<vmem>>
    %dma_wait3A_247 = arith.constant 0 : i32
    %dma_wait3A_248 = arith.constant 0 : i32
    %dma_wait3A_249 = tpu.memref_slice %arg11[%dma_wait3A_247, %dma_wait3A_248] : memref<10240x64xbf16, #tpu.memory_space<vmem_shared>> -> memref<10240x64xbf16, #tpu.memory_space<vmem_shared>>
    tpu.wait_indirect_dma semaphore(%arg16 : memref<!tpu.dma_semaphore, #tpu.memory_space<semaphore_mem>>) src(%arg8 : memref<128x64xbf16, #tpu.memory_space<vmem>>) dst(%dma_wait3A_249 : memref<10240x64xbf16, #tpu.memory_space<vmem_shared>>)
    %lt3A_250 = arith.constant 4 : i32
    %lt3A_251 = arith.cmpi slt, %arg1, %lt3A_250 : i32
    %convert_element_type3A_252 = arith.extui %lt3A_251 : i1 to i32
    %cond3A_253 = arith.constant 0 : i32
    %cond3A_254 = arith.cmpi ne, %convert_element_type3A_252, %cond3A_253 : i32
    scf.if %cond3A_254 {
      %add3A_276 = arith.constant 156 : i32
      %add3A_277 = arith.addi %add3A, %add3A_276 : i32
      %run_scoped3A = arith.constant 0 : i32
      "tpu.region"() ({
        %run_scoped3A_307 = tpu.sem_alloc : memref<!tpu.dma_semaphore, #tpu.memory_space<semaphore_mem>>
        %dma_start3A_308 = arith.constant 0 : i32
        %dma_start3A_309 = arith.constant 0 : i32
        %dma_start3A_310 = tpu.memref_slice %arg5[%dma_start3A_308, %dma_start3A_309] : memref<78x128xi32, #tpu.memory_space<vmem>> -> memref<1x128xi32, #tpu.memory_space<vmem>>
        %dma_start3A_311 = arith.constant 0 : i32
        %dma_start3A_312 = tpu.memref_slice %arg3[%run_scoped3A, %add3A_277, %dma_start3A_311] : memref<2x2500x128xi32, #tpu.memory_space<hbm>> -> memref<1x1x128xi32, #tpu.memory_space<hbm>>
        %dma_start3A_313 = tpu.memref_squeeze %dma_start3A_312 : memref<1x1x128xi32, #tpu.memory_space<hbm>> -> memref<1x128xi32, #tpu.memory_space<hbm>>
        %dma_start3A_314 = arith.constant 0 : i32
        %dma_start3A_315 = arith.constant 0 : i32
        %dma_start3A_316 = tpu.memref_slice %arg5[%dma_start3A_314, %dma_start3A_315] : memref<78x128xi32, #tpu.memory_space<vmem>> -> memref<1x128xi32, #tpu.memory_space<vmem>>
        %dma_start3A_317 = arith.constant 0 : i32
        %dma_start3A_318 = tpu.memref_slice %arg3[%run_scoped3A, %add3A_277, %dma_start3A_317] : memref<2x2500x128xi32, #tpu.memory_space<hbm>> -> memref<1x1x128xi32, #tpu.memory_space<hbm>>
        %dma_start3A_319 = tpu.memref_squeeze %dma_start3A_318 : memref<1x1x128xi32, #tpu.memory_space<hbm>> -> memref<1x128xi32, #tpu.memory_space<hbm>>
        tpu.enqueue_dma source(%dma_start3A_319 : memref<1x128xi32, #tpu.memory_space<hbm>>) target(%dma_start3A_316 : memref<1x128xi32, #tpu.memory_space<vmem>>) target_semaphore(%run_scoped3A_307 : memref<!tpu.dma_semaphore, #tpu.memory_space<semaphore_mem>>)
        %dma_wait3A_320 = arith.constant 0 : i32
        %dma_wait3A_321 = arith.constant 0 : i32
        %dma_wait3A_322 = tpu.memref_slice %arg5[%dma_wait3A_320, %dma_wait3A_321] : memref<78x128xi32, #tpu.memory_space<vmem>> -> memref<1x128xi32, #tpu.memory_space<vmem>>
        %dma_wait3A_323 = arith.constant 0 : i32
        %dma_wait3A_324 = tpu.memref_slice %arg3[%run_scoped3A, %add3A_277, %dma_wait3A_323] : memref<2x2500x128xi32, #tpu.memory_space<hbm>> -> memref<1x1x128xi32, #tpu.memory_space<hbm>>
        %dma_wait3A_325 = tpu.memref_squeeze %dma_wait3A_324 : memref<1x1x128xi32, #tpu.memory_space<hbm>> -> memref<1x128xi32, #tpu.memory_space<hbm>>
        %dma_wait3A_326 = arith.constant 0 : i32
        %dma_wait3A_327 = arith.constant 0 : i32
        %dma_wait3A_328 = tpu.memref_slice %arg5[%dma_wait3A_326, %dma_wait3A_327] : memref<78x128xi32, #tpu.memory_space<vmem>> -> memref<1x128xi32, #tpu.memory_space<vmem>>
        %dma_wait3A_329 = arith.constant 0 : i32
        %dma_wait3A_330 = tpu.memref_slice %arg3[%run_scoped3A, %add3A_277, %dma_wait3A_329] : memref<2x2500x128xi32, #tpu.memory_space<hbm>> -> memref<1x1x128xi32, #tpu.memory_space<hbm>>
        %dma_wait3A_331 = tpu.memref_squeeze %dma_wait3A_330 : memref<1x1x128xi32, #tpu.memory_space<hbm>> -> memref<1x128xi32, #tpu.memory_space<hbm>>
        tpu.wait_dma2 semaphore(%run_scoped3A_307 : memref<!tpu.dma_semaphore, #tpu.memory_space<semaphore_mem>>) src(%dma_wait3A_331 : memref<1x128xi32, #tpu.memory_space<hbm>>) dst(%dma_wait3A_328 : memref<1x128xi32, #tpu.memory_space<vmem>>)
        tpu.yield
      }) : () -> ()
      %run_scoped3A_278 = arith.constant 1 : i32
      "tpu.region"() ({
        %run_scoped3A_307 = tpu.sem_alloc : memref<!tpu.dma_semaphore, #tpu.memory_space<semaphore_mem>>
        %dma_start3A_308 = arith.constant 0 : i32
        %dma_start3A_309 = arith.constant 0 : i32
        %dma_start3A_310 = tpu.memref_slice %arg6[%dma_start3A_308, %dma_start3A_309] : memref<78x128xi32, #tpu.memory_space<vmem>> -> memref<1x128xi32, #tpu.memory_space<vmem>>
        %dma_start3A_311 = arith.constant 0 : i32
        %dma_start3A_312 = tpu.memref_slice %arg3[%run_scoped3A_278, %add3A_277, %dma_start3A_311] : memref<2x2500x128xi32, #tpu.memory_space<hbm>> -> memref<1x1x128xi32, #tpu.memory_space<hbm>>
        %dma_start3A_313 = tpu.memref_squeeze %dma_start3A_312 : memref<1x1x128xi32, #tpu.memory_space<hbm>> -> memref<1x128xi32, #tpu.memory_space<hbm>>
        %dma_start3A_314 = arith.constant 0 : i32
        %dma_start3A_315 = arith.constant 0 : i32
        %dma_start3A_316 = tpu.memref_slice %arg6[%dma_start3A_314, %dma_start3A_315] : memref<78x128xi32, #tpu.memory_space<vmem>> -> memref<1x128xi32, #tpu.memory_space<vmem>>
        %dma_start3A_317 = arith.constant 0 : i32
        %dma_start3A_318 = tpu.memref_slice %arg3[%run_scoped3A_278, %add3A_277, %dma_start3A_317] : memref<2x2500x128xi32, #tpu.memory_space<hbm>> -> memref<1x1x128xi32, #tpu.memory_space<hbm>>
        %dma_start3A_319 = tpu.memref_squeeze %dma_start3A_318 : memref<1x1x128xi32, #tpu.memory_space<hbm>> -> memref<1x128xi32, #tpu.memory_space<hbm>>
        tpu.enqueue_dma source(%dma_start3A_319 : memref<1x128xi32, #tpu.memory_space<hbm>>) target(%dma_start3A_316 : memref<1x128xi32, #tpu.memory_space<vmem>>) target_semaphore(%run_scoped3A_307 : memref<!tpu.dma_semaphore, #tpu.memory_space<semaphore_mem>>)
        %dma_wait3A_320 = arith.constant 0 : i32
        %dma_wait3A_321 = arith.constant 0 : i32
        %dma_wait3A_322 = tpu.memref_slice %arg6[%dma_wait3A_320, %dma_wait3A_321] : memref<78x128xi32, #tpu.memory_space<vmem>> -> memref<1x128xi32, #tpu.memory_space<vmem>>
        %dma_wait3A_323 = arith.constant 0 : i32
        %dma_wait3A_324 = tpu.memref_slice %arg3[%run_scoped3A_278, %add3A_277, %dma_wait3A_323] : memref<2x2500x128xi32, #tpu.memory_space<hbm>> -> memref<1x1x128xi32, #tpu.memory_space<hbm>>
        %dma_wait3A_325 = tpu.memref_squeeze %dma_wait3A_324 : memref<1x1x128xi32, #tpu.memory_space<hbm>> -> memref<1x128xi32, #tpu.memory_space<hbm>>
        %dma_wait3A_326 = arith.constant 0 : i32
        %dma_wait3A_327 = arith.constant 0 : i32
        %dma_wait3A_328 = tpu.memref_slice %arg6[%dma_wait3A_326, %dma_wait3A_327] : memref<78x128xi32, #tpu.memory_space<vmem>> -> memref<1x128xi32, #tpu.memory_space<vmem>>
        %dma_wait3A_329 = arith.constant 0 : i32
        %dma_wait3A_330 = tpu.memref_slice %arg3[%run_scoped3A_278, %add3A_277, %dma_wait3A_329] : memref<2x2500x128xi32, #tpu.memory_space<hbm>> -> memref<1x1x128xi32, #tpu.memory_space<hbm>>
        %dma_wait3A_331 = tpu.memref_squeeze %dma_wait3A_330 : memref<1x1x128xi32, #tpu.memory_space<hbm>> -> memref<1x128xi32, #tpu.memory_space<hbm>>
        tpu.wait_dma2 semaphore(%run_scoped3A_307 : memref<!tpu.dma_semaphore, #tpu.memory_space<semaphore_mem>>) src(%dma_wait3A_331 : memref<1x128xi32, #tpu.memory_space<hbm>>) dst(%dma_wait3A_328 : memref<1x128xi32, #tpu.memory_space<vmem>>)
        tpu.yield
      }) : () -> ()
      %dma_start3A_279 = arith.constant 0 : i32
      %dma_start3A_280 = arith.constant 0 : i32
      %dma_start3A_281 = tpu.memref_slice %arg5[%dma_start3A_279, %dma_start3A_280] : memref<78x128xi32, #tpu.memory_space<vmem>> -> memref<1x128xi32, #tpu.memory_space<vmem>>
      %dma_start3A_282 = tpu.memref_squeeze %dma_start3A_281 : memref<1x128xi32, #tpu.memory_space<vmem>> -> memref<128xi32, #tpu.memory_space<vmem>>
      %dma_start3A_283 = arith.constant 0 : i32
      %dma_start3A_284 = arith.constant 0 : i32
      %dma_start3A_285 = tpu.memref_slice %arg9[%dma_start3A_283, %dma_start3A_284] : memref<10240x64xbf16, #tpu.memory_space<vmem_shared>> -> memref<10240x64xbf16, #tpu.memory_space<vmem_shared>>
      tpu.enqueue_indirect_dma source(%dma_start3A_285 : memref<10240x64xbf16, #tpu.memory_space<vmem_shared>>) target(%arg7 : memref<128x64xbf16, #tpu.memory_space<vmem>>) offsets(%dma_start3A_282 : memref<128xi32, #tpu.memory_space<vmem>>) semaphore(%arg13 : memref<!tpu.dma_semaphore, #tpu.memory_space<semaphore_mem>>)
      %dma_wait3A_286 = arith.constant 0 : i32
      %dma_wait3A_287 = arith.constant 0 : i32
      %dma_wait3A_288 = tpu.memref_slice %arg5[%dma_wait3A_286, %dma_wait3A_287] : memref<78x128xi32, #tpu.memory_space<vmem>> -> memref<1x128xi32, #tpu.memory_space<vmem>>
      %dma_wait3A_289 = tpu.memref_squeeze %dma_wait3A_288 : memref<1x128xi32, #tpu.memory_space<vmem>> -> memref<128xi32, #tpu.memory_space<vmem>>
      %dma_wait3A_290 = arith.constant 0 : i32
      %dma_wait3A_291 = arith.constant 0 : i32
      %dma_wait3A_292 = tpu.memref_slice %arg9[%dma_wait3A_290, %dma_wait3A_291] : memref<10240x64xbf16, #tpu.memory_space<vmem_shared>> -> memref<10240x64xbf16, #tpu.memory_space<vmem_shared>>
      tpu.wait_indirect_dma semaphore(%arg13 : memref<!tpu.dma_semaphore, #tpu.memory_space<semaphore_mem>>) src(%dma_wait3A_292 : memref<10240x64xbf16, #tpu.memory_space<vmem_shared>>) dst(%arg7 : memref<128x64xbf16, #tpu.memory_space<vmem>>)
      %dma_start3A_293 = arith.constant 0 : i32
      %dma_start3A_294 = arith.constant 0 : i32
      %dma_start3A_295 = tpu.memref_slice %arg6[%dma_start3A_293, %dma_start3A_294] : memref<78x128xi32, #tpu.memory_space<vmem>> -> memref<1x128xi32, #tpu.memory_space<vmem>>
      %dma_start3A_296 = tpu.memref_squeeze %dma_start3A_295 : memref<1x128xi32, #tpu.memory_space<vmem>> -> memref<128xi32, #tpu.memory_space<vmem>>
      %dma_start3A_297 = arith.constant 0 : i32
      %dma_start3A_298 = arith.constant 0 : i32
      %dma_start3A_299 = tpu.memref_slice %arg11[%dma_start3A_297, %dma_start3A_298] : memref<10240x64xbf16, #tpu.memory_space<vmem_shared>> -> memref<10240x64xbf16, #tpu.memory_space<vmem_shared>>
      tpu.enqueue_indirect_dma source(%arg7 : memref<128x64xbf16, #tpu.memory_space<vmem>>) target(%dma_start3A_299 : memref<10240x64xbf16, #tpu.memory_space<vmem_shared>>) offsets(%dma_start3A_296 : memref<128xi32, #tpu.memory_space<vmem>>) semaphore(%arg15 : memref<!tpu.dma_semaphore, #tpu.memory_space<semaphore_mem>>) {add = true}
      %dma_wait3A_300 = arith.constant 0 : i32
      %dma_wait3A_301 = arith.constant 0 : i32
      %dma_wait3A_302 = tpu.memref_slice %arg6[%dma_wait3A_300, %dma_wait3A_301] : memref<78x128xi32, #tpu.memory_space<vmem>> -> memref<1x128xi32, #tpu.memory_space<vmem>>
      %dma_wait3A_303 = tpu.memref_squeeze %dma_wait3A_302 : memref<1x128xi32, #tpu.memory_space<vmem>> -> memref<128xi32, #tpu.memory_space<vmem>>
      %dma_wait3A_304 = arith.constant 0 : i32
      %dma_wait3A_305 = arith.constant 0 : i32
      %dma_wait3A_306 = tpu.memref_slice %arg11[%dma_wait3A_304, %dma_wait3A_305] : memref<10240x64xbf16, #tpu.memory_space<vmem_shared>> -> memref<10240x64xbf16, #tpu.memory_space<vmem_shared>>
      tpu.wait_indirect_dma semaphore(%arg15 : memref<!tpu.dma_semaphore, #tpu.memory_space<semaphore_mem>>) src(%arg7 : memref<128x64xbf16, #tpu.memory_space<vmem>>) dst(%dma_wait3A_306 : memref<10240x64xbf16, #tpu.memory_space<vmem_shared>>)
    } else {
    }
    %barrier3A_255 = arith.constant 0 : index
    tpu.barrier barrier_id(%barrier3A_255)
    %dma_start3A_256 = arith.constant 0 : i32
    %dma_start3A_257 = tpu.memref_slice %arg4[%dma_start3A_256, %mul3A_0, %mul3A_2] : memref<2x10240x128xbf16, #tpu.memory_space<hbm>> -> memref<1x640x64xbf16, #tpu.memory_space<hbm>>
    %dma_start3A_258 = tpu.memref_squeeze %dma_start3A_257 : memref<1x640x64xbf16, #tpu.memory_space<hbm>> -> memref<640x64xbf16, #tpu.memory_space<hbm>>
    %dma_start3A_259 = arith.constant 0 : i32
    %dma_start3A_260 = tpu.memref_slice %arg10[%mul3A_0, %dma_start3A_259] : memref<10240x64xbf16, #tpu.memory_space<vmem_shared>> -> memref<640x64xbf16, #tpu.memory_space<vmem_shared>>
    tpu.enqueue_dma source(%dma_start3A_260 : memref<640x64xbf16, #tpu.memory_space<vmem_shared>>) target(%dma_start3A_258 : memref<640x64xbf16, #tpu.memory_space<hbm>>) target_semaphore(%arg13 : memref<!tpu.dma_semaphore, #tpu.memory_space<semaphore_mem>>)
    %dma_start3A_261 = arith.constant 1 : i32
    %dma_start3A_262 = tpu.memref_slice %arg4[%dma_start3A_261, %mul3A_0, %mul3A_2] : memref<2x10240x128xbf16, #tpu.memory_space<hbm>> -> memref<1x640x64xbf16, #tpu.memory_space<hbm>>
    %dma_start3A_263 = tpu.memref_squeeze %dma_start3A_262 : memref<1x640x64xbf16, #tpu.memory_space<hbm>> -> memref<640x64xbf16, #tpu.memory_space<hbm>>
    %dma_start3A_264 = arith.constant 0 : i32
    %dma_start3A_265 = tpu.memref_slice %arg11[%mul3A_0, %dma_start3A_264] : memref<10240x64xbf16, #tpu.memory_space<vmem_shared>> -> memref<640x64xbf16, #tpu.memory_space<vmem_shared>>
    tpu.enqueue_dma source(%dma_start3A_265 : memref<640x64xbf16, #tpu.memory_space<vmem_shared>>) target(%dma_start3A_263 : memref<640x64xbf16, #tpu.memory_space<hbm>>) target_semaphore(%arg14 : memref<!tpu.dma_semaphore, #tpu.memory_space<semaphore_mem>>)
    %dma_wait3A_266 = arith.constant 0 : i32
    %dma_wait3A_267 = tpu.memref_slice %arg4[%dma_wait3A_266, %mul3A_0, %mul3A_2] : memref<2x10240x128xbf16, #tpu.memory_space<hbm>> -> memref<1x640x64xbf16, #tpu.memory_space<hbm>>
    %dma_wait3A_268 = tpu.memref_squeeze %dma_wait3A_267 : memref<1x640x64xbf16, #tpu.memory_space<hbm>> -> memref<640x64xbf16, #tpu.memory_space<hbm>>
    %dma_wait3A_269 = arith.constant 0 : i32
    %dma_wait3A_270 = tpu.memref_slice %arg10[%mul3A_0, %dma_wait3A_269] : memref<10240x64xbf16, #tpu.memory_space<vmem_shared>> -> memref<640x64xbf16, #tpu.memory_space<vmem_shared>>
    tpu.wait_dma2 semaphore(%arg13 : memref<!tpu.dma_semaphore, #tpu.memory_space<semaphore_mem>>) src(%dma_wait3A_270 : memref<640x64xbf16, #tpu.memory_space<vmem_shared>>) dst(%dma_wait3A_268 : memref<640x64xbf16, #tpu.memory_space<hbm>>)
    %dma_wait3A_271 = arith.constant 1 : i32
    %dma_wait3A_272 = tpu.memref_slice %arg4[%dma_wait3A_271, %mul3A_0, %mul3A_2] : memref<2x10240x128xbf16, #tpu.memory_space<hbm>> -> memref<1x640x64xbf16, #tpu.memory_space<hbm>>
    %dma_wait3A_273 = tpu.memref_squeeze %dma_wait3A_272 : memref<1x640x64xbf16, #tpu.memory_space<hbm>> -> memref<640x64xbf16, #tpu.memory_space<hbm>>
    %dma_wait3A_274 = arith.constant 0 : i32
    %dma_wait3A_275 = tpu.memref_slice %arg11[%mul3A_0, %dma_wait3A_274] : memref<10240x64xbf16, #tpu.memory_space<vmem_shared>> -> memref<640x64xbf16, #tpu.memory_space<vmem_shared>>
    tpu.wait_dma2 semaphore(%arg14 : memref<!tpu.dma_semaphore, #tpu.memory_space<semaphore_mem>>) src(%dma_wait3A_275 : memref<640x64xbf16, #tpu.memory_space<vmem_shared>>) dst(%dma_wait3A_273 : memref<640x64xbf16, #tpu.memory_space<hbm>>)
    return
  }
}

module attributes {stable_mosaic.version = 14 : i64} {
  func.func @_mlp_body(%arg0: i32, %arg1: memref<1x1000x128xbf16, #tpu.memory_space<vmem>>, %arg2: memref<1x1000x128xbf16, #tpu.memory_space<vmem>>, %arg3: memref<1000x128xf32, #tpu.memory_space<vmem>>, %arg4: memref<128x128xf32, #tpu.memory_space<vmem>>, %arg5: memref<1x128xf32, #tpu.memory_space<vmem>>, %arg6: memref<128x128xf32, #tpu.memory_space<vmem>>, %arg7: memref<1x128xf32, #tpu.memory_space<vmem>>, %arg8: memref<1000x128xf32, #tpu.memory_space<vmem>>) attributes {dimension_semantics = [#tpu.dimension_semantics<arbitrary>], iteration_bounds = array<i64: 10>, scalar_prefetch = 0 : i64, scratch_operands = 0 : i64, tpu.core_type = #tpu.core_type<tc>, window_params = [{transform_indices = @transform_0, window_bounds = array<i64: 1, 1000, 128>}, {transform_indices = @transform_1, window_bounds = array<i64: 1, 1000, 128>}, {transform_indices = @transform_2, window_bounds = array<i64: 1000, 128>}, {pipeline_mode = #tpu.pipeline_mode<synchronous>, transform_indices = @transform_3, window_bounds = array<i64: 128, 128>}, {pipeline_mode = #tpu.pipeline_mode<synchronous>, transform_indices = @transform_4, window_bounds = array<i64: 1, 128>}, {pipeline_mode = #tpu.pipeline_mode<synchronous>, transform_indices = @transform_5, window_bounds = array<i64: 128, 128>}, {pipeline_mode = #tpu.pipeline_mode<synchronous>, transform_indices = @transform_6, window_bounds = array<i64: 1, 128>}, {transform_indices = @transform_7, window_bounds = array<i64: 1000, 128>}]} {
    %get3A = arith.constant 0 : index
    %get3A_0 = arith.constant 0 : index
    %get3A_1 = arith.constant 0 : index
    %get3A_2 = vector.load %arg1[%get3A, %get3A_0, %get3A_1] : memref<1x1000x128xbf16, #tpu.memory_space<vmem>>, vector<1x1000x128xbf16>
    %get3A_3 = vector.shape_cast %get3A_2 : vector<1x1000x128xbf16> to vector<1000x128xbf16>
    %convert_element_type3A = arith.extf %get3A_3 : vector<1000x128xbf16> to vector<1000x128xf32>
    %get3A_4 = arith.constant 0 : index
    %get3A_5 = arith.constant 0 : index
    %get3A_6 = arith.constant 0 : index
    %get3A_7 = vector.load %arg2[%get3A_4, %get3A_5, %get3A_6] : memref<1x1000x128xbf16, #tpu.memory_space<vmem>>, vector<1x1000x128xbf16>
    %get3A_8 = vector.shape_cast %get3A_7 : vector<1x1000x128xbf16> to vector<1000x128xbf16>
    %convert_element_type3A_9 = arith.extf %get3A_8 : vector<1000x128xbf16> to vector<1000x128xf32>
    %add3A = arith.addf %convert_element_type3A, %convert_element_type3A_9 : vector<1000x128xf32>
    %get3A_10 = arith.constant 0 : index
    %get3A_11 = arith.constant 0 : index
    %get3A_12 = vector.load %arg3[%get3A_10, %get3A_11] : memref<1000x128xf32, #tpu.memory_space<vmem>>, vector<1000x128xf32>
    %add3A_13 = arith.addf %add3A, %get3A_12 : vector<1000x128xf32>
    %get3A_14 = arith.constant 0 : index
    %get3A_15 = arith.constant 0 : index
    %get3A_16 = vector.load %arg4[%get3A_14, %get3A_15] : memref<128x128xf32, #tpu.memory_space<vmem>>, vector<128x128xf32>
    %dot_general3A = arith.constant dense<0.000000e+00> : vector<1000x128xf32>
    %dot_general3A_17 = tpu.matmul %add3A_13, %get3A_16, %dot_general3A {dimension_numbers = #tpu.dot_dimension_numbers<[1], [0], [0], [1], [0, 0, 1, 1], [], []>, transpose_lhs_hint = false} : vector<1000x128xf32>, vector<128x128xf32>, vector<1000x128xf32> -> vector<1000x128xf32>
    %get3A_18 = arith.constant 0 : index
    %get3A_19 = arith.constant 0 : index
    %get3A_20 = vector.load %arg5[%get3A_18, %get3A_19] : memref<1x128xf32, #tpu.memory_space<vmem>>, vector<1x128xf32>
    %add3A_21 = vector.broadcast %get3A_20 : vector<1x128xf32> to vector<1000x128xf32>
    %add3A_22 = arith.addf %dot_general3A_17, %add3A_21 : vector<1000x128xf32>
    %max3A = arith.constant 0.000000e+00 : f32
    %max3A_23 = vector.broadcast %max3A : f32 to vector<1000x128xf32>
    %max3A_24 = arith.maximumf %add3A_22, %max3A_23 : vector<1000x128xf32>
    %get3A_25 = arith.constant 0 : index
    %get3A_26 = arith.constant 0 : index
    %get3A_27 = vector.load %arg6[%get3A_25, %get3A_26] : memref<128x128xf32, #tpu.memory_space<vmem>>, vector<128x128xf32>
    %dot_general3A_28 = arith.constant dense<0.000000e+00> : vector<1000x128xf32>
    %dot_general3A_29 = tpu.matmul %max3A_24, %get3A_27, %dot_general3A_28 {dimension_numbers = #tpu.dot_dimension_numbers<[1], [0], [0], [1], [0, 0, 1, 1], [], []>, transpose_lhs_hint = false} : vector<1000x128xf32>, vector<128x128xf32>, vector<1000x128xf32> -> vector<1000x128xf32>
    %get3A_30 = arith.constant 0 : index
    %get3A_31 = arith.constant 0 : index
    %get3A_32 = vector.load %arg7[%get3A_30, %get3A_31] : memref<1x128xf32, #tpu.memory_space<vmem>>, vector<1x128xf32>
    %add3A_33 = vector.broadcast %get3A_32 : vector<1x128xf32> to vector<1000x128xf32>
    %add3A_34 = arith.addf %dot_general3A_29, %add3A_33 : vector<1000x128xf32>
    %swap3A = arith.constant 0 : index
    %swap3A_35 = arith.constant 0 : index
    %swap3A_36 = vector.load %arg8[%swap3A, %swap3A_35] : memref<1000x128xf32, #tpu.memory_space<vmem>>, vector<1000x128xf32>
    tpu.vector_store %arg8[%swap3A, %swap3A_35], %add3A_34 {strides = array<i32>} : memref<1000x128xf32, #tpu.memory_space<vmem>>, vector<1000x128xf32>,
    return
  }
  func.func @transform_0(%arg0: i32) -> (i32, i32, i32) {
    %c0_i32 = arith.constant 0 : i32
    %c0_i32_0 = arith.constant 0 : i32
    %c0_i32_1 = arith.constant 0 : i32
    return %c0_i32, %arg0, %c0_i32_0 : i32, i32, i32
  }
  func.func @transform_1(%arg0: i32) -> (i32, i32, i32) {
    %c1_i32 = arith.constant 1 : i32
    %c0_i32 = arith.constant 0 : i32
    %c0_i32_0 = arith.constant 0 : i32
    return %c1_i32, %arg0, %c0_i32 : i32, i32, i32
  }
  func.func @transform_2(%arg0: i32) -> (i32, i32) {
    %c0_i32 = arith.constant 0 : i32
    %c0_i32_0 = arith.constant 0 : i32
    return %arg0, %c0_i32 : i32, i32
  }
  func.func @transform_3(%arg0: i32) -> (i32, i32) {
    %c0_i32 = arith.constant 0 : i32
    %c0_i32_0 = arith.constant 0 : i32
    %c0_i32_1 = arith.constant 0 : i32
    return %c0_i32, %c0_i32_0 : i32, i32
  }
  func.func @transform_4(%arg0: i32) -> (i32, i32) {
    %c0_i32 = arith.constant 0 : i32
    %c0_i32_0 = arith.constant 0 : i32
    %c0_i32_1 = arith.constant 0 : i32
    return %c0_i32, %c0_i32_0 : i32, i32
  }
  func.func @transform_5(%arg0: i32) -> (i32, i32) {
    %c0_i32 = arith.constant 0 : i32
    %c0_i32_0 = arith.constant 0 : i32
    %c0_i32_1 = arith.constant 0 : i32
    return %c0_i32, %c0_i32_0 : i32, i32
  }
  func.func @transform_6(%arg0: i32) -> (i32, i32) {
    %c0_i32 = arith.constant 0 : i32
    %c0_i32_0 = arith.constant 0 : i32
    %c0_i32_1 = arith.constant 0 : i32
    return %c0_i32, %c0_i32_0 : i32, i32
  }
  func.func @transform_7(%arg0: i32) -> (i32, i32) {
    %c0_i32 = arith.constant 0 : i32
    %c0_i32_0 = arith.constant 0 : i32
    return %arg0, %c0_i32 : i32, i32
  }
}

</mosaic_0001>

<sc_bundles>
// kernel: kernel.4.cloned.1.call-start
scs
__scs_entry_jumppad:
0x0: {  	(pc) =	sbr.rel $0x88, $3  }
0x1: {  	(tag) =	ssettag $0x0;
	lr =	simm.s32 $0x1  }
0x2: {  	[smem:$0x3F9B] =	sst lr;
	_ =	strace $0xD0000000  }
0x3: {  	_ = 	snop  }
0x4: {  	_ = 	snop  }
0x5: {  	_ = 	snop  }
0x6: {  	_ = 	snop  }
0x7: {  	_ = 	snop  }
__scs_overlays_trampoline_lowered:
0x8: {  	[smem:$0x3FAA] =	sst s0  }
0x9: {  	[smem:$0x3FAB] =	sst s1  }
0xa: {  	[smem:$0x3FAC] =	sst s2  }
0xb: {  	[smem:$0x3FAD] =	sst s3  }
0xc: {  	[smem:$0x3FAE] =	sst s4  }
0xd: {  	[smem:$0x3FAF] =	sst s5  }
0xe: {  	[smem:$0x3FB0] =	sst s6  }
0xf: {  	[smem:$0x3FB1] =	sst s7  }
0x10: {  	[smem:$0x3FB2] =	sst s8  }
0x11: {  	[smem:$0x3FB3] =	sst s9;
	s0 =	simm.s32 @!p0 $0x0  }
0x12: {  	s1 =	sld [smem:$0x3F99];
	s0 =	simm.s32 @p0 $0x1  }
0x13: {  	[smem:$0x3FB4] =	sst s0;
	s0 =	simm.s32 @!p1 $0x0  }
0x14: {  	s2 =	sld [smem:$0x3F98];
	s0 =	simm.s32 @p1 $0x1  }
0x15: {  	[smem:$0x3FB5] =	sst s0;
	s0 =	simm.s32 @!p2 $0x0  }
0x16: {  	s3 =	sld [smem:$0x3FDB];
	s0 =	simm.s32 @p2 $0x1  }
0x17: {  	s4 =	simm.s32 $0x1BF5;
	[smem:$0x3FB7] =	sst s0  }
0x18: {  	s0 =	sld [smem:$0x3F9A];
	_ =	swait.ge [sflag:s4], $0x0  }
0x19: {  	s7 =	sld [smem:$0x3F9B]  }
0x1a: {  	s8 =	sadd.s32 $0xFFFFE003, lr  }
0x1b: {  	s9 =	sadd.s32 $0xFFFFFEF7, lr;
	s5 =	simm.s32 $0xFFFFFFFF;
	p2 =	slt.u32 s8, $0xFFFFF086  }
0x1c: {  	p1 =	slt.u32 s9, $0xF7A;
	s5 =	simm.s32 @!p2 $0x0  }
0x1d: {  	s5 =	simm.s32 @p1 $0x1;
	p0 =	seq.s32 s7, s2  }
0x1e: {  	s7 =	smul.u32 @!p0 $0xF7A, s2;
	p2 =	seq.s32 @!p0 s5, $0x0  }
0x1f: {  	s9 =	smul.u32 $0xF7A, s1;
	s8 =	simm.s32 @!p0 $0x1BF5;
	p2 =	por !p2, p0  }
0x20: {  	[sflag:s8] =	ssyncset.s32 @!p0 $0xFFFFF086;
	s6 =	sadd.s32 @!p0 s3, s7;
	s7 =	simm.s32 @!p0 $0x108  }
0x21: {  	s3 =	sadd.s32 s3, s9;
	s6 =	sadd.s32 @!p0 $0x88, s6;
	s7 =	simm.s32 @p2 $0x1082  }
0x22: {  	[simem:s7], [sflag:s8] =	dma.local @!p0 [hbm:s6], $0xF7A  }
0x23: {  	s9 =	sor.u32 $0xD0000000, s2;
	s6 =	simm.s32 $0x108;
	_ =	swait.ge @!p0 [sflag:s8], $0x0  }
0x24: {  	s3 =	sadd.s32 $0x88, s3;
	s6 =	simm.s32 @!p1 $0x1082;
	[sflag:s4] =	ssyncset.s32 $0xFFFFF086  }
0x25: {  	[simem:s6], [sflag:s4] =	dma.local [hbm:s3], $0xF7A  }
0x26: {  	[smem:$0x3F9B] =	sst s1;
	(tag) =	ssettag s2;
	_ =	strace s9  }
0x27: {  	s1 =	sld [smem:$0x3FAB]  }
0x28: {  	s2 =	sld [smem:$0x3FAC]  }
0x29: {  	s4 =	sld [smem:$0x3FAE]  }
0x2a: {  	p0 =	seq.s32 s5, $0x0;
	s5 =	sld [smem:$0x3FAF]  }
0x2b: {  	s6 =	sld [smem:$0x3FB0]  }
0x2c: {  	s7 =	sld [smem:$0x3FB1]  }
0x2d: {  	s3 =	simm.s32 $0x108;
	s8 =	sld [smem:$0x3FB2]  }
0x2e: {  	s3 =	simm.s32 @!p0 $0x1082;
	s9 =	sld [smem:$0x3FB3]  }
0x2f: {  	lr =	sadd.s32 s0, s3;
	s0 =	sld [smem:$0x3FAA]  }
0x30: {  	s3 =	sld [smem:$0x3FAD]  }
0x31: {  	[smem:$0x3FB6] =	sst s10  }
0x32: {  	s10 =	sld [smem:$0x3FB4];
	_ =	sdelay $0x3  }
0x33: {  	p0 =	seq.s32 s10, $0x1;
	s10 =	sld [smem:$0x3FB6];
	_ =	sdelay $0x3  }
0x34: {  	[smem:$0x3FB6] =	sst s10  }
0x35: {  	s10 =	sld [smem:$0x3FB5];
	_ =	sdelay $0x3  }
0x36: {  	p1 =	seq.s32 s10, $0x1;
	s10 =	sld [smem:$0x3FB6];
	_ =	sdelay $0x3  }
0x37: {  	[smem:$0x3FB6] =	sst s10  }
0x38: {  	s10 =	sld [smem:$0x3FB7]  }
0x39: {  	_ = 	snop;
	(pc) =	sbr.ind lr, $3  }
0x3a: {  	_ = 	snop  }
0x3b: {  	_ = 	snop  }
0x3c: {  	p2 =	seq.s32 s10, $0x1;
	s10 =	sld [smem:$0x3FB6]  }
0x3d: {  	_ =	shalt  }
0x3e: {  	_ =	shalt  }
0x3f: {  	_ =	shalt  }
0x40: {  	_ =	shalt  }
0x41: {  	_ =	shalt  }
0x42: {  	_ =	shalt  }
0x43: {  	_ =	shalt  }
0x44: {  	_ =	shalt  }
0x45: {  	_ =	shalt  }
0x46: {  	_ =	shalt  }
0x47: {  	_ =	shalt  }
0x48: {  	_ =	shalt  }
0x49: {  	_ =	shalt  }
0x4a: {  	_ =	shalt  }
0x4b: {  	_ =	shalt  }
0x4c: {  	_ =	shalt  }
0x4d: {  	_ =	shalt  }
0x4e: {  	_ =	shalt  }
0x4f: {  	_ =	shalt  }
0x50: {  	_ =	shalt  }
0x51: {  	_ =	shalt  }
0x52: {  	_ =	shalt  }
0x53: {  	_ =	shalt  }
0x54: {  	_ =	shalt  }
0x55: {  	_ =	shalt  }
0x56: {  	_ =	shalt  }
0x57: {  	_ =	shalt  }
0x58: {  	_ =	shalt  }
0x59: {  	_ =	shalt  }
0x5a: {  	_ =	shalt  }
0x5b: {  	_ =	shalt  }
0x5c: {  	_ =	shalt  }
0x5d: {  	_ =	shalt  }
0x5e: {  	_ =	shalt  }
0x5f: {  	_ =	shalt  }
0x60: {  	_ =	shalt  }
0x61: {  	_ =	shalt  }
0x62: {  	_ =	shalt  }
0x63: {  	_ =	shalt  }
0x64: {  	_ =	shalt  }
0x65: {  	_ =	shalt  }
0x66: {  	_ =	shalt  }
0x67: {  	_ =	shalt  }
0x68: {  	_ =	shalt  }
0x69: {  	_ =	shalt  }
0x6a: {  	_ =	shalt  }
0x6b: {  	_ =	shalt  }
0x6c: {  	_ =	shalt  }
0x6d: {  	_ =	shalt  }
0x6e: {  	_ =	shalt  }
0x6f: {  	_ =	shalt  }
0x70: {  	_ =	shalt  }
0x71: {  	_ =	shalt  }
0x72: {  	_ =	shalt  }
0x73: {  	_ =	shalt  }
0x74: {  	_ =	shalt  }
0x75: {  	_ =	shalt  }
0x76: {  	_ =	shalt  }
0x77: {  	_ =	shalt  }
0x78: {  	_ =	shalt  }
0x79: {  	_ =	shalt  }
0x7a: {  	_ =	shalt  }
0x7b: {  	_ =	shalt  }
0x7c: {  	_ =	shalt  }
0x7d: {  	_ =	shalt  }
0x7e: {  	_ =	shalt  }
0x7f: {  	_ =	shalt  }
0x80: {  	_ =	shalt  }
0x81: {  	_ =	shalt  }
0x82: {  	_ =	shalt  }
0x83: {  	_ =	shalt  }
0x84: {  	_ =	shalt  }
0x85: {  	_ =	shalt  }
0x86: {  	_ =	shalt  }
0x87: {  	_ =	shalt  }
.Lfunc_end0:
.L_simem_size_0:
called_computation_lowered:
.L_overlay_start_0:
0x88: {  	s2 =	sld [smem:$0x3FD9]  }
0x89: {  	s3 =	sld [smem:$0x3FFE];
	_ =	sdelay $0x1  }
0x8a: {  	s1 =	srdreg.scid  }
0x8b: {  	s0 =	sand.u32 $0x1, s1  }
0x8c: {  	s17 =	sshll.u32 s0, $0xA;
	s2 =	sadd.s32 s3, s2  }
0x8d: {  	s2 =	sadd.s32 s2, s17  }
0x8e: {  	[smem:$0x3FC2] =	sst s2  }
0x8f: {  	_ = 	snop  }
0x90: {  	s2 =	sld [smem:$0x3FD0];
	(tm) =	ssettm $0x1  }
0x91: {  	s18 =	sld [smem:$0x3FFB];
	_ =	sdelay $0x3  }
0x92: {  	_ =	strace s18  }
0x93: {  	s3 =	sld [smem:$0x3FFC];
	_ =	sdelay $0x3  }
0x94: {  	_ =	strace s3  }
0x95: {  	s3 =	sld [smem:$0x3FFD];
	_ =	sdelay $0x3  }
0x96: {  	_ =	strace s3  }
0x97: {  	_ =	strace $0x8FFFFFFF  }
0x98: {  	s19 =	sld [smem:$0x3FDB];
	_ =	sdelay $0x1  }
0x99: {  	s4 =	simm.s32 $_scs_section_size  }
0x9a: {  	s5 =	simm.s32 $_size__tile_overlayer_lowered;
	s6 =	simm.s32 $_tile_overlayer_lowered  }
0x9b: {  	s22 =	simm.s32 $0x1BFF;
	s21 =	sshll.u32 s6, $0x1;
	s3 =	sadd.s32 s4, s19  }
0x9c: {  	s7 =	simm.s32 $0x0;
	s20 =	sshll.u32 s5, $0x1;
	s5 =	sadd.s32 s21, s3  }
0x9d: {  	[timem:s7], [sflag:s22] =	dma.local [hbm:s5], s20  }
0x9e: {  	_ =	swait.ge [sflag:s22], s20  }
0x9f: {  	s4 =	ssub.s32 $0x0, s20;
	[sflag:s22] =	ssyncset.done $0x0  }
0xa0: {  	[sflag:s22] =	ssyncadd.s32 s4;
	_ =	sdelay $0x1  }
0xa1: {  	s23 =	simm.s32 $0x1B8B  }
0xa2: {  	_ =	swait.ge [sflag:s23], $0x1  }
0xa3: {  	[sflag:s23] =	ssyncset.done $0x0  }
0xa4: {  	s25 =	simm.s32 $0x1B8E;
	s24 =	sld [smem:$0x3FFE];
	[sflag:s23] =	ssyncadd.s32 $0xFFFFFFFF  }
0xa5: {  	s26 =	simm.s32 $execute0_lowered;
	[smem:$0x3FD2] =	sst s25  }
0xa6: {  	s5 =	sshll.u32 s26, $0x1;
	_ =	strace $0x80000046;
	[dreg:$0x1] =	wrdreg $0xFFFFFFFF  }
0xa7: {  	s28 =	simm.s32 $_size_execute0_lowered;
	s3 =	sadd.s32 s3, s5;
	[dreg:$0x0] =	wrdreg $0x0  }
0xa8: {  	s5 =	sshll.u32 s28, $0x1;
	[dreg:$0x2] =	wrdreg s3  }
0xa9: {  	[dreg:$0x3] =	wrdreg s5  }
0xaa: {  	[dreg:$0x4] =	wrdreg $0xC0  }
0xab: {  	_ =	task [dreg:s7], $0x5FFFF  }
0xac: {  	[dreg:$0x1] =	wrdreg $0xFFFFFFFF  }
0xad: {  	[dreg:$0x0] =	wrdreg $0x60  }
0xae: {  	[dreg:$0x2] =	wrdreg s2  }
0xaf: {  	[dreg:$0x3] =	wrdreg s24  }
0xb0: {  	[dreg:$0x4] =	wrdreg $0x6E000  }
0xb1: {  	[dreg:$0x5] =	wrdreg $0xBE000  }
0xb2: {  	[dreg:$0x6] =	wrdreg $0x10E000  }
0xb3: {  	[dreg:$0x7] =	wrdreg $0x9  }
0xb4: {  	_ =	task.clear_ibuf [dreg:s7], $0x8FFFF;
	_ =	strace $0x90000046  }
0xb5: {  	s29 =	simm.s32 $0x9;
	_ =	strace $0x80000048  }
0xb6: {  	_ =	swait.ge [sflag:s29], $0x1  }
0xb7: {  	[sflag:s29] =	ssyncadd.s32 $0xFFFFFFFF  }
0xb8: {  	_ =	strace $0x90000048  }
0xb9: {  	_ =	sfence  }
0xba: {  	s30 =	sld [smem:$0x0];
	_ =	sdelay $0x2  }
0xbb: {  	s31 =	sshll.u32 s1, $0xD;
	s1 =	sshrl.u32 s1, $0x2  }
0xbc: {  	s3 =	sand.u32 $0x4000, s31;
	s1 =	sadd.s32 s1, s30  }
0xbd: {  	s0 =	sor.u32 s3, s0;
	s1 =	sshll.u32 s1, $0x11  }
0xbe: {  	s0 =	sor.u32 s1, s0  }
0xbf: {  	s0 =	sadd.s32 $0x8F2B, s0  }
0xc0: {  	[sflag:s0] =	ssyncadd.remote.s32 $0x1  }
0xc1: {  	_ =	sfence.sel $0xFFFF  }
0xc2: {  	[dreg:$0x0] =	wrdreg $0xFFFFFFFF;
	(pc) =	sbr.abs _section_cstart, $3  }
0xc3: {  	[dreg:$0x1] =	wrdreg $0xFFFFFFFF  }
0xc4: {  	_ =	task.clear_ibuf [dreg:s7], $0x2FFFF;
	_ =	strace $0x9FFFFFFF  }
0xc5: {  	(tm) =	ssettm $0x7FFFFFFF  }
tec
execute0_lowered:
.L_overlay_start_1:
0x0: {  	(tag) =	ssettag $0x1  }
0x1: {  	s0 =	rddreg [dreg:$0x0]  }
0x2: {  	s3 =	rddreg [dreg:$0x1]  }
0x3: {  	s1 =	rddreg [dreg:$0x2]  }
0x4: {  	s2 =	rddreg [dreg:$0x3]  }
0x5: {  	s4 =	rddreg [dreg:$0x4]  }
0x6: {  	s5 =	simm.s32 $0x0;
	s14 =	stileid.u32;
	s7 =	srdreg.scid  }
0x7: {  	s30 =	simm.s32 $0x2700;
	s31 =	simm.s32 $0x4E00;
	s6 =	smul.u32 $0x9C, s14  }
0x8: {  	[smem:$0x7FF] =	sst s5;
	s8 =	smin.u32 s14, $0x4;
	s9 =	smul.u32 $0x14000, s14  }
0x9: {  	s7 =	sand.u32 $0x1, s7;
	s24 =	smul.u32 $0xA000, s14;
	p0 =	seq.s32 s14, $0xF  }
0xa: {  	p1 =	sgt.u32 s14, $0x3;
	s14 =	simm.s32 $0x8;
	_ =	strace $0x80000047  }
0xb: {  	s23 =	sshll.u32 s7, $0x6;
	s10 =	ssub.s32 $0x2, s7;
	s7 =	sshll.u32 s7, $0x2  }
0xc: {  	s6 =	sadd.s32 s8, s6;
	s8 =	sor.u32 s23, s9;
	s11 =	sshrl.u32 s10, $0x1  }
0xd: {  	s9 =	sshrl.u32 s9, $0x2;
	s26 =	sshrl.u32 s24, $0x1;
	s6 =	sshll.u32 s6, $0x4  }
0xe: {  	s8 =	sshrl.u32 s8, $0x4;
	s11 =	ssub.s32 s10, s11;
	s9 =	sadd.s32 s9, s1  }
0xf: {  	s16 =	sadd.s32 $0x1000, s26;
	s10 =	sadd.s32 s26, s2;
	s18 =	sadd.s32 $0x2000, s26  }
0x10: {  	s6 =	sadd.s32 s6, s3;
	s3 =	sadd.s32 s8, s3;
	s8 =	sadd.s32 s0, s8  }
0x11: {  	s19 =	sadd.s32 $0x3000, s26;
	s17 =	sadd.s32 s16, s2;
	[dreg:$0x8] =	wrdreg s8  }
0x12: {  	s13 =	sadd.s32 $0x4000, s26;
	s15 =	sadd.s32 s18, s2;
	[dreg:$0xa] =	wrdreg s17  }
0x13: {  	s0 =	sadd.s32 s7, s0;
	s20 =	sadd.s32 s19, s2;
	[dreg:$0xb] =	wrdreg s15  }
0x14: {  	s21 =	sadd.s32 s13, s2;
	s7 =	sadd.s32 s16, s4;
	[dreg:$0xc] =	wrdreg s20  }
0x15: {  	s22 =	sadd.s32 s19, s4;
	s23 =	sadd.s32 s13, s4;
	[dreg:$0xd] =	wrdreg s21  }
0x16: {  	s29 =	sshrl.u32 @!p0 s9, $0x3;
	s9 =	simm.s32 $0x3;
	[dreg:$0xe] =	wrdreg s7  }
0x17: {  	s13 =	simm.s32 $0x5;
	s16 =	simm.s32 $0x0;
	[dreg:$0x10] =	wrdreg s22  }
0x18: {  	s12 =	sadd.s32 $0xE00, s6;
	s25 =	sadd.s32 $0xAA40, s6;
	[dreg:$0x11] =	wrdreg s23  }
0x19: {  	s0 =	sadd.s32 $0x12C00, s0;
	s15 =	sadd.s32 s26, s4;
	[dreg:$0x6] =	wrdreg s12  }
0x1a: {  	s24 =	sadd.s32 $0x12E0, s6;
	s26 =	sadd.s32 $0x17C0, s6;
	[dreg:$0x7] =	wrdreg s25  }
0x1b: {  	s23 =	sadd.s32 $0xB400, s6;
	s7 =	simm.s32 $0x80;
	[dreg:$0x9] =	wrdreg s0  }
0x1c: {  	s8 =	simm.s32 $0x5E00;
	s0 =	sadd.s32 s18, s4;
	[dreg:$0x12] =	wrdreg s24  }
.Ltmp0:
0x1d: {  	s25 =	sadd.s32 $0xAF20, s6;
	[dreg:$0x14] =	wrdreg s26;
	(pc) =	sbr.rel .LBB2_1-.Ltmp0, $4  }
0x1e: {  	s24 =	sadd.s32 $0x14800, s3;
	s26 =	smax.u32 s11, $0x1;
	s6 =	simm.s32 $0x1  }
0x1f: {  	s11 =	simm.s32 $0x100;
	s12 =	simm.s32 $0x2780;
	[dreg:$0xf] =	wrdreg s0  }
0x20: {  	[dreg:$0x13] =	wrdreg s25;
	s0 =	sadd.s32 $0x4B000, s1;
	s25 =	sadd.s32 $0x28800, s3  }
0x21: {  	v0 =	vimm.bf16 $0.0e+00;
	s3 =	simm.s32 $0x2;
	s28 =	sshrl.u32 @p0 s0, $0x3;
	s0 =	simm.s32 $0x4  }
.LBB2_9:
0x22: {  	[spmem:s4] =	stream.indirect.scatter.add.bf16 [tilespmem:s8], [sflag:$0x5], $0x20, s19, s7, $0xb8;
	[tilespmem:$0x15E00] =	vst v63  }
0x23: {  	_ =	swait.ge [sflag:s13], $0x1000  }
0x24: {  	[sflag:s13] =	ssyncset.done $0x0  }
0x25: {  	s17 =	simm.s32 @!p1 $0x0;
	s18 =	rddreg [dreg:$0x14];
	[sflag:s13] =	ssyncadd.s32 $0xFFFFF000  }
0x26: {  	[tilespmem:s17], [sflag:$0x6] =	stream.linear.gather @!p1 [hbm4b:s18+s17], $0x80, $0x38;
	[tilespmem:$0x15E00] =	vst v63  }
0x27: {  	s18 =	simm.s32 @!p1 $0x6  }
0x28: {  	_ =	swait.ge @!p1 [sflag:s18], $0x80  }
0x29: {  	[sflag:s18] =	ssyncset.done @!p1 $0x0  }
0x2a: {  	s19 =	simm.s32 @!p1 $0x2700;
	[sflag:s18] =	ssyncadd.s32 @!p1 $0xFFFFFF80  }
0x2b: {  	[tilespmem:s19], [sflag:$0x6] =	stream.linear.gather @!p1 [hbm4b:s23+s17], $0x80, $0x38;
	[tilespmem:$0x15E00] =	vst v63  }
0x2c: {  	_ =	swait.ge @!p1 [sflag:s18], $0x80  }
0x2d: {  	[sflag:s18] =	ssyncset.done @!p1 $0x0  }
0x2e: {  	s20 =	simm.s32 @!p1 $0x4E00;
	[sflag:s18] =	ssyncadd.s32 @!p1 $0xFFFFFF80;
	s18 =	simm.s32 @!p1 $0x80  }
0x2f: {  	[tilespmem:s20], [sflag:$0x2] =	stream.indirect.gather @!p1 [spmem:s1], $0x20, s17, s18, $0xb8;
	[tilespmem:$0x15E00] =	vst v63  }
0x30: {  	s17 =	simm.s32 @!p1 $0x2  }
0x31: {  	_ =	swait.ge @!p1 [sflag:s17], $0x1000  }
0x32: {  	[sflag:s17] =	ssyncset.done @!p1 $0x0  }
0x33: {  	[sflag:s17] =	ssyncadd.s32 @!p1 $0xFFFFF000;
	s17 =	simm.s32 @!p1 $0x4  }
0x34: {  	[spmem:s4] =	stream.indirect.scatter.add.bf16 @!p1 [tilespmem:s20], [sflag:$0x4], $0x20, s19, s18, $0xb8;
	[tilespmem:$0x15E00] =	vst v63  }
0x35: {  	s20 =	stileid.u32;
	_ =	swait.ge @!p1 [sflag:s17], $0x1000  }
0x36: {  	s21 =	sshrl.u32 s10, $0x3;
	s22 =	sshll.u32 s20, $0x6;
	[sflag:s17] =	ssyncset.done @!p1 $0x0  }
0x37: {  	s16 =	sadd.s32 $0x1, s16;
	s19 =	sor.u32 $0x1C02, s22;
	[sflag:s17] =	ssyncadd.s32 @!p1 $0xFFFFF000  }
0x38: {  	s17 =	sor.u32 $0x1C03, s22;
	s22 =	sshrl.u32 s15, $0x3;
	[bflag:$0x0] =	sbarrier.arrive $0xFFFF  }
0x39: {  	[hbm:s24@s14], [sflag:s19] =	dma.strided [spmem:s21@s0], $0xA00, s6, $0x4   }
0x3a: {  	[hbm:s25@s14], [sflag:s17] =	dma.strided [spmem:s22@s0], $0xA00, s6, $0x4   }
0x3b: {  	p2 =	sne.s32 s16, s26;
	_ =	swait.ge [sflag:s3], $0xA00  }
.Ltmp1:
0x3c: {  	[sflag:s3] =	ssyncset.done $0x0;
	(pc) =	sbr.rel @!p2 .LBB2_10-.Ltmp1, $4  }
0x3d: {  	[sflag:s3] =	ssyncadd.s32 $0xFFFFF600  }
0x3e: {  	_ =	swait.ge [sflag:s9], $0xA00  }
0x3f: {  	[sflag:s9] =	ssyncset.done $0x0  }
0x40: {  	[sflag:s9] =	ssyncadd.s32 $0xFFFFF600  }
.LBB2_1:
0x41: {  	s17 =	rddreg [dreg:$0x6]  }
0x42: {  	s22 =	rddreg [dreg:$0x7]  }
0x43: {  	[tilespmem:s5], [sflag:$0x1] =	stream.linear.gather [hbm4b:s17+s5], $0x2700, $0x38;
	[tilespmem:$0x15E00] =	vst v63  }
0x44: {  	s18 =	simm.s32 @p0 $0x4;
	s19 =	simm.s32 @p0 $0x8;
	s21 =	stileid.u32  }
0x45: {  	[tilespmem:s30], [sflag:$0x1] =	stream.linear.gather [hbm4b:s22+s5], $0x2700, $0x38;
	[tilespmem:$0x15E00] =	vst v63  }
0x46: {  	s20 =	simm.s32 @p0 $0x1FC2;
	s17 =	simm.s32 @p0 $0x1;
	s22 =	rddreg [dreg:$0x9]  }
0x47: {  	[spmem:s28@s18], [sflag:s20] =	dma.strided @p0 [hbm:s22@s19], $0x640, s17, $0x4   }
0x48: {  	s17 =	sshll.u32 @!p0 s21, $0x6;
	s18 =	simm.s32 @!p0 $0x1;
	s19 =	simm.s32 @!p0 $0x4  }
0x49: {  	s20 =	simm.s32 @!p0 $0x8;
	s17 =	sor.u32 @!p0 $0x1C02, s17;
	s21 =	rddreg [dreg:$0x8]  }
0x4a: {  	[spmem:s29@s19], [sflag:s17] =	dma.strided @!p0 [hbm:s21@s20], $0xA00, s18, $0x4   }
0x4b: {  	s17 =	simm.s32 $0x80;
	s18 =	simm.s32 $0x0  }
.LBB2_2:
0x4c: {  	p2 =	sne.s32 s17, $0x3F80;
	[tilespmem:s18+$0x4E00] =	vst v0;
	s19 =	smov.u32 s17;
	s17 =	sadd.s32 $0x80, s17  }
.Ltmp2:
0x4d: {  	[tilespmem:s18+$0x4E10] =	vst v0;
	(pc) =	sbr.rel @p2 .LBB2_2-.Ltmp2, $2  }
0x4e: {  	_ =	sdelay $0x2  }
0x4f: {  	s18 =	sshra.s32 s19, $0x2  }
0x50: {  	[tilespmem:s18+$0x4E00] =	vst v0  }
0x51: {  	[tilespmem:s18+$0x4E10] =	vst v0  }
0x52: {  	[spmem:s10] =	stream.linear.scatter [tilespmem:s31], [sflag:$0x4], $0x1000, $0x38;
	[tilespmem:$0x15E00] =	vst v63  }
0x53: {  	s17 =	rddreg [dreg:$0xa]  }
0x54: {  	[spmem:s17] =	stream.linear.scatter [tilespmem:s31], [sflag:$0x4], $0x1000, $0x38;
	[tilespmem:$0x15E00] =	vst v63  }
0x55: {  	s21 =	rddreg [dreg:$0xb]  }
0x56: {  	[spmem:s21] =	stream.linear.scatter [tilespmem:s31], [sflag:$0x4], $0x1000, $0x38;
	[tilespmem:$0x15E00] =	vst v63  }
0x57: {  	s22 =	rddreg [dreg:$0xc]  }
0x58: {  	[spmem:s22] =	stream.linear.scatter [tilespmem:s31], [sflag:$0x4], $0x1000, $0x38;
	[tilespmem:$0x15E00] =	vst v63  }
0x59: {  	s18 =	rddreg [dreg:$0xd]  }
0x5a: {  	[spmem:s18] =	stream.linear.scatter [tilespmem:s31], [sflag:$0x4], $0x1000, $0x38;
	[tilespmem:$0x15E00] =	vst v63  }
0x5b: {  	_ = 	snop  }
0x5c: {  	[spmem:s15] =	stream.linear.scatter [tilespmem:s31], [sflag:$0x4], $0x1000, $0x38;
	[tilespmem:$0x15E00] =	vst v63  }
0x5d: {  	s19 =	rddreg [dreg:$0xe]  }
0x5e: {  	[spmem:s19] =	stream.linear.scatter [tilespmem:s31], [sflag:$0x4], $0x1000, $0x38;
	[tilespmem:$0x15E00] =	vst v63  }
0x5f: {  	s20 =	rddreg [dreg:$0xf]  }
0x60: {  	[spmem:s20] =	stream.linear.scatter [tilespmem:s31], [sflag:$0x4], $0x1000, $0x38;
	[tilespmem:$0x15E00] =	vst v63  }
0x61: {  	s21 =	rddreg [dreg:$0x10]  }
0x62: {  	[spmem:s21] =	stream.linear.scatter [tilespmem:s31], [sflag:$0x4], $0x1000, $0x38;
	[tilespmem:$0x15E00] =	vst v63  }
0x63: {  	s22 =	rddreg [dreg:$0x11]  }
0x64: {  	[spmem:s22] =	stream.linear.scatter [tilespmem:s31], [sflag:$0x4], $0x1000, $0x38;
	[tilespmem:$0x15E00] =	vst v63  }
0x65: {  	_ =	swait.ge [sflag:s0], $0x1000  }
0x66: {  	[sflag:s0] =	ssyncset.done $0x0  }
0x67: {  	[sflag:s0] =	ssyncadd.s32 $0xFFFFF000  }
0x68: {  	_ =	swait.ge [sflag:s0], $0x1000  }
0x69: {  	[sflag:s0] =	ssyncset.done $0x0  }
0x6a: {  	[sflag:s0] =	ssyncadd.s32 $0xFFFFF000  }
0x6b: {  	_ =	swait.ge [sflag:s0], $0x1000  }
0x6c: {  	[sflag:s0] =	ssyncset.done $0x0  }
0x6d: {  	[sflag:s0] =	ssyncadd.s32 $0xFFFFF000  }
0x6e: {  	_ =	swait.ge [sflag:s0], $0x1000  }
0x6f: {  	[sflag:s0] =	ssyncset.done $0x0  }
0x70: {  	[sflag:s0] =	ssyncadd.s32 $0xFFFFF000  }
0x71: {  	_ =	swait.ge [sflag:s0], $0x1000  }
0x72: {  	[sflag:s0] =	ssyncset.done $0x0  }
0x73: {  	[sflag:s0] =	ssyncadd.s32 $0xFFFFF000  }
0x74: {  	_ =	swait.ge [sflag:s0], $0x1000  }
0x75: {  	[sflag:s0] =	ssyncset.done $0x0  }
0x76: {  	[sflag:s0] =	ssyncadd.s32 $0xFFFFF000  }
0x77: {  	_ =	swait.ge [sflag:s0], $0x1000  }
0x78: {  	[sflag:s0] =	ssyncset.done $0x0  }
0x79: {  	[sflag:s0] =	ssyncadd.s32 $0xFFFFF000  }
0x7a: {  	_ =	swait.ge [sflag:s0], $0x1000  }
0x7b: {  	[sflag:s0] =	ssyncset.done $0x0  }
0x7c: {  	[sflag:s0] =	ssyncadd.s32 $0xFFFFF000  }
0x7d: {  	_ =	swait.ge [sflag:s0], $0x1000  }
0x7e: {  	[sflag:s0] =	ssyncset.done $0x0  }
0x7f: {  	[sflag:s0] =	ssyncadd.s32 $0xFFFFF000  }
0x80: {  	_ =	swait.ge [sflag:s0], $0x1000  }
0x81: {  	[sflag:s0] =	ssyncset.done $0x0  }
0x82: {  	s17 =	simm.s32 @p0 $0x2;
	[sflag:s0] =	ssyncadd.s32 $0xFFFFF000  }
0x83: {  	_ =	swait.ge @p0 [sflag:s17], $0x640  }
0x84: {  	[sflag:s17] =	ssyncset.done @p0 $0x0  }
0x85: {  	[sflag:s17] =	ssyncadd.s32 @p0 $0xFFFFF9C0;
	s17 =	simm.s32 @!p0 $0x2  }
0x86: {  	_ =	swait.ge @!p0 [sflag:s17], $0xA00  }
0x87: {  	[sflag:s17] =	ssyncset.done @!p0 $0x0  }
0x88: {  	[sflag:s17] =	ssyncadd.s32 @!p0 $0xFFFFF600  }
0x89: {  	[bflag:$0x0] =	sbarrier.arrive $0xFFFF  }
0x8a: {  	_ =	swait.ge [sflag:s6], $0x2700  }
0x8b: {  	[sflag:s6] =	ssyncset.done $0x0  }
0x8c: {  	[sflag:s6] =	ssyncadd.s32 $0xFFFFD900  }
0x8d: {  	_ =	swait.ge [sflag:s6], $0x2700  }
0x8e: {  	[sflag:s6] =	ssyncset.done $0x0  }
0x8f: {  	[sflag:s6] =	ssyncadd.s32 $0xFFFFD900  }
0x90: {  	[tilespmem:s31], [sflag:$0x2] =	stream.indirect.gather [spmem:s1], $0x20, s5, s7, $0xb8;
	[tilespmem:$0x15E00] =	vst v63  }
0x91: {  	_ =	swait.ge [sflag:s3], $0x1000  }
0x92: {  	[sflag:s3] =	ssyncset.done $0x0  }
0x93: {  	[sflag:s3] =	ssyncadd.s32 $0xFFFFF000  }
0x94: {  	[tilespmem:s8], [sflag:$0x3] =	stream.indirect.gather [spmem:s1], $0x20, s7, s7, $0xb8;
	[tilespmem:$0x15E00] =	vst v63  }
0x95: {  	_ = 	snop  }
0x96: {  	[spmem:s2] =	stream.indirect.scatter.add.bf16 [tilespmem:s31], [sflag:$0x4], $0x20, s30, s7, $0xb8;
	[tilespmem:$0x15E00] =	vst v63  }
0x97: {  	_ =	swait.ge [sflag:s9], $0x1000  }
0x98: {  	[sflag:s9] =	ssyncset.done $0x0  }
0x99: {  	[sflag:s9] =	ssyncadd.s32 $0xFFFFF000  }
0x9a: {  	_ =	swait.ge [sflag:s0], $0x1000  }
0x9b: {  	[sflag:s0] =	ssyncset.done $0x0  }
0x9c: {  	[sflag:s0] =	ssyncadd.s32 $0xFFFFF000  }
0x9d: {  	[tilespmem:s31], [sflag:$0x2] =	stream.indirect.gather [spmem:s1], $0x20, s11, s7, $0xb8;
	[tilespmem:$0x15E00] =	vst v63  }
0x9e: {  	s17 =	simm.s32 $0xFFFF6C00  }
0x9f: {  	[spmem:s2] =	stream.indirect.scatter.add.bf16 [tilespmem:s8], [sflag:$0x5], $0x20, s12, s7, $0xb8;
	[tilespmem:$0x15E00] =	vst v63  }
.LBB2_4:
0xa0: {  	_ =	swait.ge [sflag:s3], $0x1000  }
0xa1: {  	[sflag:s3] =	ssyncset.done $0x0  }
0xa2: {  	[sflag:s3] =	ssyncadd.s32 $0xFFFFF000  }
0xa3: {  	_ =	swait.ge [sflag:s13], $0x1000  }
0xa4: {  	s18 =	sshra.s32 s17, $0x2;
	[sflag:s13] =	ssyncset.done $0x0  }
0xa5: {  	s19 =	sadd.s32 $0x2680, s18;
	[sflag:s13] =	ssyncadd.s32 $0xFFFFF000  }
0xa6: {  	[tilespmem:s8], [sflag:$0x3] =	stream.indirect.gather [spmem:s1], $0x20, s19, s7, $0xb8;
	[tilespmem:$0x15E00] =	vst v63  }
0xa7: {  	s22 =	sadd.s32 $0x4D00, s18  }
0xa8: {  	[spmem:s2] =	stream.indirect.scatter.add.bf16 [tilespmem:s31], [sflag:$0x4], $0x20, s22, s7, $0xb8;
	[tilespmem:$0x15E00] =	vst v63  }
0xa9: {  	p2 =	seq.s32 s17, $0x0;
	_ =	swait.ge [sflag:s9], $0x1000  }
.Ltmp3:
0xaa: {  	[sflag:s9] =	ssyncset.done $0x0;
	(pc) =	sbr.rel @p2 .LBB2_6-.Ltmp3, $4  }
0xab: {  	[sflag:s9] =	ssyncadd.s32 $0xFFFFF000  }
0xac: {  	_ =	swait.ge [sflag:s0], $0x1000  }
0xad: {  	[sflag:s0] =	ssyncset.done $0x0  }
0xae: {  	s19 =	sadd.s32 $0x4D80, s18;
	[sflag:s0] =	ssyncadd.s32 $0xFFFFF000  }
.Ltmp4:
0xaf: {  	(pc) =	sbr.rel .LBB2_4-.Ltmp4, $4  }
0xb0: {  	s18 =	sadd.s32 $0x2700, s18  }
0xb1: {  	[tilespmem:s31], [sflag:$0x2] =	stream.indirect.gather [spmem:s1], $0x20, s18, s7, $0xb8;
	[tilespmem:$0x15E00] =	vst v63  }
0xb2: {  	s17 =	sadd.s32 $0x400, s17  }
0xb3: {  	[spmem:s2] =	stream.indirect.scatter.add.bf16 [tilespmem:s8], [sflag:$0x5], $0x20, s19, s7, $0xb8;
	[tilespmem:$0x15E00] =	vst v63  }
.LBB2_6:
0xb4: {  	[spmem:s2] =	stream.indirect.scatter.add.bf16 [tilespmem:s8], [sflag:$0x5], $0x20, s19, s7, $0xb8;
	[tilespmem:$0x15E00] =	vst v63  }
0xb5: {  	_ =	swait.ge [sflag:s13], $0x1000  }
0xb6: {  	[sflag:s13] =	ssyncset.done $0x0  }
0xb7: {  	s17 =	rddreg [dreg:$0x12];
	[sflag:s13] =	ssyncadd.s32 $0xFFFFF000  }
0xb8: {  	[tilespmem:s5], [sflag:$0x1] =	stream.linear.gather [hbm4b:s17+s5], $0x2700, $0x38;
	[tilespmem:$0x15E00] =	vst v63  }
0xb9: {  	s22 =	rddreg [dreg:$0x13]  }
0xba: {  	[tilespmem:s30], [sflag:$0x1] =	stream.linear.gather [hbm4b:s22+s5], $0x2700, $0x38;
	[tilespmem:$0x15E00] =	vst v63  }
0xbb: {  	_ =	swait.ge [sflag:s6], $0x2700  }
0xbc: {  	[sflag:s6] =	ssyncset.done $0x0  }
0xbd: {  	[sflag:s6] =	ssyncadd.s32 $0xFFFFD900  }
0xbe: {  	_ =	swait.ge [sflag:s6], $0x2700  }
0xbf: {  	[sflag:s6] =	ssyncset.done $0x0  }
0xc0: {  	[sflag:s6] =	ssyncadd.s32 $0xFFFFD900  }
0xc1: {  	[tilespmem:s31], [sflag:$0x2] =	stream.indirect.gather [spmem:s1], $0x20, s5, s7, $0xb8;
	[tilespmem:$0x15E00] =	vst v63  }
0xc2: {  	_ =	swait.ge [sflag:s3], $0x1000  }
0xc3: {  	[sflag:s3] =	ssyncset.done $0x0  }
0xc4: {  	[sflag:s3] =	ssyncadd.s32 $0xFFFFF000  }
0xc5: {  	[tilespmem:s8], [sflag:$0x3] =	stream.indirect.gather [spmem:s1], $0x20, s7, s7, $0xb8;
	[tilespmem:$0x15E00] =	vst v63  }
0xc6: {  	_ = 	snop  }
0xc7: {  	[spmem:s4] =	stream.indirect.scatter.add.bf16 [tilespmem:s31], [sflag:$0x4], $0x20, s30, s7, $0xb8;
	[tilespmem:$0x15E00] =	vst v63  }
0xc8: {  	_ =	swait.ge [sflag:s9], $0x1000  }
0xc9: {  	[sflag:s9] =	ssyncset.done $0x0  }
0xca: {  	[sflag:s9] =	ssyncadd.s32 $0xFFFFF000  }
0xcb: {  	_ =	swait.ge [sflag:s0], $0x1000  }
0xcc: {  	[sflag:s0] =	ssyncset.done $0x0  }
0xcd: {  	[sflag:s0] =	ssyncadd.s32 $0xFFFFF000  }
0xce: {  	[tilespmem:s31], [sflag:$0x2] =	stream.indirect.gather [spmem:s1], $0x20, s11, s7, $0xb8;
	[tilespmem:$0x15E00] =	vst v63  }
0xcf: {  	s17 =	simm.s32 $0xFFFF6C00  }
0xd0: {  	[spmem:s4] =	stream.indirect.scatter.add.bf16 [tilespmem:s8], [sflag:$0x5], $0x20, s12, s7, $0xb8;
	[tilespmem:$0x15E00] =	vst v63  }
.LBB2_7:
0xd1: {  	_ =	swait.ge [sflag:s3], $0x1000  }
0xd2: {  	[sflag:s3] =	ssyncset.done $0x0  }
0xd3: {  	[sflag:s3] =	ssyncadd.s32 $0xFFFFF000  }
0xd4: {  	_ =	swait.ge [sflag:s13], $0x1000  }
0xd5: {  	s18 =	sshra.s32 s17, $0x2;
	[sflag:s13] =	ssyncset.done $0x0  }
0xd6: {  	s19 =	sadd.s32 $0x2680, s18;
	[sflag:s13] =	ssyncadd.s32 $0xFFFFF000  }
0xd7: {  	[tilespmem:s8], [sflag:$0x3] =	stream.indirect.gather [spmem:s1], $0x20, s19, s7, $0xb8;
	[tilespmem:$0x15E00] =	vst v63  }
0xd8: {  	s22 =	sadd.s32 $0x4D00, s18  }
0xd9: {  	[spmem:s4] =	stream.indirect.scatter.add.bf16 [tilespmem:s31], [sflag:$0x4], $0x20, s22, s7, $0xb8;
	[tilespmem:$0x15E00] =	vst v63  }
0xda: {  	p2 =	seq.s32 s17, $0x0;
	_ =	swait.ge [sflag:s9], $0x1000  }
.Ltmp5:
0xdb: {  	[sflag:s9] =	ssyncset.done $0x0;
	(pc) =	sbr.rel @p2 .LBB2_9-.Ltmp5, $4  }
0xdc: {  	[sflag:s9] =	ssyncadd.s32 $0xFFFFF000  }
0xdd: {  	_ =	swait.ge [sflag:s0], $0x1000  }
0xde: {  	[sflag:s0] =	ssyncset.done $0x0  }
0xdf: {  	s19 =	sadd.s32 $0x4D80, s18;
	[sflag:s0] =	ssyncadd.s32 $0xFFFFF000  }
.Ltmp6:
0xe0: {  	(pc) =	sbr.rel .LBB2_7-.Ltmp6, $4  }
0xe1: {  	s18 =	sadd.s32 $0x2700, s18  }
0xe2: {  	[tilespmem:s31], [sflag:$0x2] =	stream.indirect.gather [spmem:s1], $0x20, s18, s7, $0xb8;
	[tilespmem:$0x15E00] =	vst v63  }
0xe3: {  	s17 =	sadd.s32 $0x400, s17  }
0xe4: {  	[spmem:s4] =	stream.indirect.scatter.add.bf16 [tilespmem:s8], [sflag:$0x5], $0x20, s19, s7, $0xb8;
	[tilespmem:$0x15E00] =	vst v63  }
.LBB2_10:
0xe5: {  	_ =	sfence.sel $0x180000  }
0xe6: {  	[bflag:$0x0] =	sbarrier.arrive $0xFFFF  }
0xe7: {  	_ =	strace $0x90000047  }
0xe8: {  	[bflag:$0x2] =	sbarrier.arrive $0xFFFF  }
0xe9: {  	p0 =	sne.s32 s20, $0x0;
	s0 =	rddreg [dreg:$0x5]  }
0xea: {  	s0 =	sadd.s32 @!p0 $0x100000, s0  }
0xeb: {  	[sflag:s0] =	ssyncadd.tile.s32 @!p0 $0x1;
	_ =	shalt  }
.Lfunc_end2:
_tile_overlayer_lowered:
.L_overlay_start_2:
0xec: {  	(tag) =	ssettag $0x2  }
0xed: {  	s0 =	rddreg [dreg:$0x0];
	s2 =	stileid.u32  }
0xee: {  	s1 =	rddreg [dreg:$0x1];
	p0 =	sne.s32 s2, $0x0  }
0xef: {  	s3 =	rddreg [dreg:$0x2];
	[bflag:$0x3] =	sbarrier.arrive $0xFFFF;
	s2 =	simm.s32 @!p0 $0x1C06  }
0xf0: {  	[timem:s3], [sflag:s2] =	dma.local @!p0 [hbm:s0], s1  }
0xf1: {  	s0 =	simm.s32 @!p0 $0x6  }
0xf2: {  	_ =	swait.ge @!p0 [sflag:s0], s1  }
0xf3: {  	s1 =	ssub.s32 @!p0 $0x0, s1;
	[sflag:s0] =	ssyncset.done @!p0 $0x0  }
0xf4: {  	[sflag:s0] =	ssyncadd.s32 @!p0 s1  }
0xf5: {  	[bflag:$0x3] =	sbarrier.arrive $0xFFFF  }
0xf6: {  	_ =	shalt  }

</sc_bundles>
